<compile_context>
chip_gen: v7x
topology: tpu7x:2x2x1
jax: 0.10.2.dev20260603
libtpu: 0.0.44.dev20260713+nightly
codegen_flags: <defaults>
</compile_context>

<pallas_src>
import functools

import jax
import jax.numpy as jnp
from jax import lax
from jax.experimental import pallas as pl
from jax.experimental.pallas import tpu as pltpu
from jax.experimental.pallas import tpu_sc as plsc

NC = 2
NS = 16
NW = NC * NS



def _make_sc_agg(n_nodes, d, n_edges, CH, NBUF, tc_tiling):
  epw = n_edges // NW
  n_chunks = epw // CH
  assert epw % CH == 0 and n_edges % NW == 0 and n_chunks % NBUF == 0
  rows_per_tile = (n_nodes + NS * 8 - 1) // (NS * 8) * 8
  n_pad = rows_per_tile * NS

  mesh = plsc.VectorSubcoreMesh(
      core_axis_name="c", subcore_axis_name="s", num_cores=NC,
      num_subcores=NS)

  @functools.partial(
      pl.kernel,
      out_type=jax.ShapeDtypeStruct((NC, n_pad, d), jnp.float32),
      mesh=mesh,
      compiler_params=pltpu.CompilerParams(use_tc_tiling_on_sc=tc_tiling),
      scratch_types=[
          pltpu.VMEM((n_chunks, CH), jnp.int32),
          pltpu.VMEM((n_chunks, CH), jnp.int32),
          *[pltpu.VMEM((CH, d), jnp.float32) for _ in range(NBUF)],
          pltpu.VMEM_SHARED((n_pad, d), jnp.float32),
          *[pltpu.SemaphoreType.DMA for _ in range(2 * NBUF)],
      ],
  )
  def sc_agg(x_hbm, ei_hbm, zeros_hbm, out_hbm,
             sidx, didx, *rest):
    rows = rest[:NBUF]
    agg_sh = rest[NBUF]
    semg = rest[NBUF + 1:2 * NBUF + 1]
    sems = rest[2 * NBUF + 1:]
    c = lax.axis_index("c")
    s = lax.axis_index("s")
    wid = s * NC + c
    r0 = s * rows_per_tile

    pltpu.sync_copy(ei_hbm.at[0, wid], sidx)
    pltpu.sync_copy(ei_hbm.at[1, wid], didx)
    pltpu.sync_copy(zeros_hbm, agg_sh.at[pl.ds(r0, rows_per_tile)])
    plsc.subcore_barrier()

    for b in range(NBUF - 1):
      pltpu.async_copy(x_hbm.at[sidx.at[b]], rows[b], semg[b])

    def outer(t, carry):
      for b in range(NBUF):
        j = t * NBUF + b
        bg = (b + NBUF - 1) % NBUF
        jj = j + NBUF - 1

        @pl.when(jj < n_chunks)
        def _():
          @pl.when(j >= 1)
          def _():
            pltpu.make_async_copy(
                rows[bg], agg_sh.at[didx.at[0]], sems[bg]).wait()
          pltpu.async_copy(x_hbm.at[sidx.at[jj]], rows[bg], semg[bg])

        pltpu.make_async_copy(
            x_hbm.at[pl.ds(0, CH)], rows[b], semg[b]).wait()
        pltpu.async_copy(rows[b], agg_sh.at[didx.at[j]], sems[b], add=True)
      return carry

    lax.fori_loop(0, n_chunks // NBUF, outer, 0)
    for b in range(NBUF):
      pltpu.make_async_copy(rows[b], agg_sh.at[didx.at[0]], sems[b]).wait()
    plsc.subcore_barrier()

    pltpu.sync_copy(agg_sh.at[pl.ds(r0, rows_per_tile)],
                    out_hbm.at[c, pl.ds(r0, rows_per_tile)])

  return sc_agg


def _make_sc_agg_ring(n_nodes, d, n_edges, CH, NBUF, tc_tiling):
  epw = n_edges // NW
  n_chunks = epw // CH
  assert epw % CH == 0 and n_edges % NW == 0 and n_chunks >= NBUF >= 3
  rows_per_tile = (n_nodes + NS * 8 - 1) // (NS * 8) * 8
  n_pad = rows_per_tile * NS

  mesh = plsc.VectorSubcoreMesh(
      core_axis_name="c", subcore_axis_name="s", num_cores=NC,
      num_subcores=NS)

  @functools.partial(
      pl.kernel,
      out_type=jax.ShapeDtypeStruct((NC, n_pad, d), jnp.float32),
      mesh=mesh,
      compiler_params=pltpu.CompilerParams(use_tc_tiling_on_sc=tc_tiling),
      scratch_types=[
          *[pltpu.VMEM((CH,), jnp.int32) for _ in range(NBUF)],
          *[pltpu.VMEM((CH,), jnp.int32) for _ in range(NBUF)],
          *[pltpu.VMEM((CH, d), jnp.float32) for _ in range(NBUF)],
          pltpu.VMEM_SHARED((n_pad, d), jnp.float32),
          *[pltpu.SemaphoreType.DMA for _ in range(4 * NBUF)],
      ],
  )
  def sc_agg(x_hbm, src_hbm, dst_hbm, zeros_hbm, out_hbm, *rest):
    sbuf = rest[:NBUF]
    dbuf = rest[NBUF:2 * NBUF]
    rows = rest[2 * NBUF:3 * NBUF]
    agg_sh = rest[3 * NBUF]
    semsi = rest[3 * NBUF + 1:4 * NBUF + 1]
    semdi = rest[4 * NBUF + 1:5 * NBUF + 1]
    semg = rest[5 * NBUF + 1:6 * NBUF + 1]
    sems = rest[6 * NBUF + 1:]
    c = lax.axis_index("c")
    s = lax.axis_index("s")
    wid = s * NC + c
    r0 = s * rows_per_tile

    pltpu.sync_copy(zeros_hbm, agg_sh.at[pl.ds(r0, rows_per_tile)])
    plsc.subcore_barrier()

    for b in range(NBUF - 1):
      pltpu.async_copy(src_hbm.at[wid, b], sbuf[b], semsi[b])
      pltpu.async_copy(dst_hbm.at[wid, b], dbuf[b], semdi[b])
    for b in range(NBUF - 2):
      pltpu.make_async_copy(src_hbm.at[0, 0], sbuf[b], semsi[b]).wait()
      pltpu.async_copy(x_hbm.at[sbuf[b]], rows[b], semg[b])

    def body(j, carry):
      for b in range(NBUF):
        @pl.when(j % NBUF == b)
        def _():
          br = (b + NBUF - 1) % NBUF
          bg = (b + NBUF - 2) % NBUF

          @pl.when(j + NBUF - 1 < n_chunks)
          def _():
            @pl.when(j >= 1)
            def _():
              pltpu.make_async_copy(
                  rows[br], agg_sh.at[dbuf[br]], sems[br]).wait()
            pltpu.async_copy(src_hbm.at[wid, j + NBUF - 1], sbuf[br],
                             semsi[br])
            pltpu.async_copy(dst_hbm.at[wid, j + NBUF - 1], dbuf[br],
                             semdi[br])

          @pl.when(j + NBUF - 2 < n_chunks)
          def _():
            pltpu.make_async_copy(
                src_hbm.at[0, 0], sbuf[bg], semsi[bg]).wait()
            pltpu.async_copy(x_hbm.at[sbuf[bg]], rows[bg], semg[bg])

          pltpu.make_async_copy(x_hbm.at[pl.ds(0, CH)], rows[b],
                                semg[b]).wait()
          pltpu.make_async_copy(dst_hbm.at[0, 0], dbuf[b], semdi[b]).wait()
          pltpu.async_copy(rows[b], agg_sh.at[dbuf[b]], sems[b], add=True)
      return carry

    lax.fori_loop(0, n_chunks, body, 0)
    for b in range(NBUF):
      pltpu.make_async_copy(rows[b], agg_sh.at[dbuf[b]], sems[b]).wait()
    plsc.subcore_barrier()

    pltpu.sync_copy(agg_sh.at[pl.ds(r0, rows_per_tile)],
                    out_hbm.at[c, pl.ds(r0, rows_per_tile)])

  return sc_agg


def _mlp1_body(x_ref, p_ref, wa_ref, ba_ref, wb_ref, bb_ref, o_ref):
  h = x_ref[...] + p_ref[0] + p_ref[1]
  h = jnp.dot(h, wa_ref[...], preferred_element_type=jnp.float32)
  h = jnp.maximum(h + ba_ref[...], 0.0)
  o = jnp.dot(h, wb_ref[...], preferred_element_type=jnp.float32)
  o_ref[...] = jnp.maximum(o + bb_ref[...], 0.0)


def _mlp2_body(x_ref, p_ref, wa_ref, ba_ref, wb_ref, bb_ref, o_ref):
  h = x_ref[...] + p_ref[0] + p_ref[1]
  h = jnp.dot(h, wa_ref[...], preferred_element_type=jnp.float32)
  h = jnp.maximum(h + ba_ref[...], 0.0)
  o = jnp.dot(h, wb_ref[...], preferred_element_type=jnp.float32)
  o = o + bb_ref[...]
  m = jnp.max(o, axis=-1, keepdims=True)
  e = jnp.exp(o - m)
  o_ref[...] = e / jnp.sum(e, axis=-1, keepdims=True)


def _make_mlp(body, n, d_in, d_hid, d_out, blk):
  grid = n // blk
  assert n % blk == 0
  return pl.pallas_call(
      body,
      grid=(grid,),
      in_specs=[
          pl.BlockSpec((blk, d_in), lambda i: (i, 0)),
          pl.BlockSpec((NC, blk, d_in), lambda i: (0, i, 0)),
          pl.BlockSpec((d_in, d_hid), lambda i: (0, 0)),
          pl.BlockSpec((1, d_hid), lambda i: (0, 0)),
          pl.BlockSpec((d_hid, d_out), lambda i: (0, 0)),
          pl.BlockSpec((1, d_out), lambda i: (0, 0)),
      ],
      out_specs=pl.BlockSpec((blk, d_out), lambda i: (i, 0)),
      out_shape=jax.ShapeDtypeStruct((n, d_out), jnp.float32),
  )


def kernel(x, edge_index, W1a, b1a, W1b, b1b, W2a, b2a, W2b, b2b):
  n, d_in = x.shape
  d_hid = W1a.shape[1]
  d_out = W2b.shape[1]
  n_edges = edge_index.shape[1]

  epw = n_edges // NW
  ei = edge_index.astype(jnp.int32)
  ch1, nb1 = 40, 5
  ch2, nb2 = 80, 5
  ei1 = ei.reshape(2, NW, epw // ch1, ch1)
  ei2 = ei.reshape(2, NW, epw // ch2, ch2)

  rpt = (n + NS * 8 - 1) // (NS * 8) * 8
  zeros1 = jnp.zeros((rpt, d_in), jnp.float32)
  zeros2 = jnp.zeros((rpt, d_hid), jnp.float32)

  agg1 = _make_sc_agg(n, d_in, n_edges, ch1, nb1, False)(x, ei1, zeros1)
  h1 = _make_mlp(_mlp1_body, n, d_in, d_hid, d_hid, 2000)(
      x, agg1, W1a, b1a.reshape(1, -1), W1b, b1b.reshape(1, -1))
  agg2 = _make_sc_agg(n, d_hid, n_edges, ch2, nb2, False)(h1, ei2, zeros2)
  out = _make_mlp(_mlp2_body, n, d_hid, d_hid, d_out, 2000)(
      h1, agg2, W2a, b2a.reshape(1, -1), W2b, b2b.reshape(1, -1))
  return out

# --- scband reference (transcript-rebuilt; emitter-appended) ---
"""Pipeline reference for scband-gin-36344013259384 (READ-ONLY COPY).

The authoritative reference and input builder live on the scoring server;
editing this copy changes nothing except your own understanding.
"""

import jax, jax.numpy as jnp
import numpy as np

N_NODES = 10000
N_EDGES = 320000
D_IN = 128
D_HID = 64
D_OUT = 64


def setup_inputs(seed: int = 0) -> dict:
    key = jax.random.key(seed)
    ks = jax.random.split(key, 10)
    x = jax.random.normal(ks[0], (N_NODES, D_IN), dtype=jnp.float32)
    edge_index = jax.random.randint(ks[1], (2, N_EDGES), 0, N_NODES, dtype=jnp.int64)
    # GINConv 1 MLP: Linear(D_IN->D_HID), ReLU, Linear(D_HID->D_HID)
    W1a = jax.random.normal(ks[2], (D_IN, D_HID), dtype=jnp.float32) * 0.05
    b1a = jnp.zeros((D_HID,), dtype=jnp.float32)
    W1b = jax.random.normal(ks[3], (D_HID, D_HID), dtype=jnp.float32) * 0.05
    b1b = jnp.zeros((D_HID,), dtype=jnp.float32)
    # GINConv 2 MLP: Linear(D_HID->D_HID), ReLU, Linear(D_HID->D_OUT)
    W2a = jax.random.normal(ks[4], (D_HID, D_HID), dtype=jnp.float32) * 0.05
    b2a = jnp.zeros((D_HID,), dtype=jnp.float32)
    W2b = jax.random.normal(ks[5], (D_HID, D_OUT), dtype=jnp.float32) * 0.05
    b2b = jnp.zeros((D_OUT,), dtype=jnp.float32)
    return {"x": x, "edge_index": edge_index,
            "W1a": W1a, "b1a": b1a, "W1b": W1b, "b1b": b1b,
            "W2a": W2a, "b2a": b2a, "W2b": W2b, "b2b": b2b}


def _gin_conv(x, edge_index, Wa, ba, Wb, bb):
    # PyG GINConv (eps=0): out = MLP((1+eps)*x + sum_{j in N(i)} x_j)
    src = edge_index[0]
    dst = edge_index[1]
    msgs = jnp.take(x, src, axis=0)
    agg = jax.ops.segment_sum(msgs, dst, num_segments=x.shape[0])
    h = x + agg
    h = jax.nn.relu(h @ Wa + ba)
    return h @ Wb + bb


def reference(x, edge_index, W1a, b1a, W1b, b1b, W2a, b2a, W2b, b2b):
    # eval mode: dropout is identity
    h = _gin_conv(x, edge_index, W1a, b1a, W1b, b1b)
    h = jax.nn.relu(h)
    h = _gin_conv(h, edge_index, W2a, b2a, W2b, b2b)
    return jax.nn.softmax(h, axis=-1)

if __name__ == "__main__":
    import jax
    _d = setup_inputs()
    print(jax.jit(kernel)(*tuple(_d.values())))

</pallas_src>

<mosaic_0001>
#map = affine_map<(d0, d1) -> (0, 0)>
#map1 = affine_map<(d0, d1) -> (0, 0, 0, 0)>
#map2 = affine_map<(d0, d1) -> (0, 0, 0)>
module attributes {stable_mosaic.version = 14 : i64} {
  func.func @sc_agg(%arg0: i32, %arg1: i32, %arg2: memref<10000x128xf32, #tpu.memory_space<hbm>>, %arg3: memref<2x32x250x40xi32, #tpu.memory_space<hbm>>, %arg4: memref<632x128xf32, #tpu.memory_space<hbm>>, %arg5: memref<2x10112x128xf32, #tpu.memory_space<hbm>>, %arg6: memref<250x40xi32, #tpu.memory_space<vmem>>, %arg7: memref<250x40xi32, #tpu.memory_space<vmem>>, %arg8: memref<40x128xf32, #tpu.memory_space<vmem>>, %arg9: memref<40x128xf32, #tpu.memory_space<vmem>>, %arg10: memref<40x128xf32, #tpu.memory_space<vmem>>, %arg11: memref<40x128xf32, #tpu.memory_space<vmem>>, %arg12: memref<40x128xf32, #tpu.memory_space<vmem>>, %arg13: memref<10112x128xf32, #tpu.memory_space<vmem_shared>>, %arg14: memref<!tpu.dma_semaphore, #tpu.memory_space<semaphore_mem>>, %arg15: memref<!tpu.dma_semaphore, #tpu.memory_space<semaphore_mem>>, %arg16: memref<!tpu.dma_semaphore, #tpu.memory_space<semaphore_mem>>, %arg17: memref<!tpu.dma_semaphore, #tpu.memory_space<semaphore_mem>>, %arg18: memref<!tpu.dma_semaphore, #tpu.memory_space<semaphore_mem>>, %arg19: memref<!tpu.dma_semaphore, #tpu.memory_space<semaphore_mem>>, %arg20: memref<!tpu.dma_semaphore, #tpu.memory_space<semaphore_mem>>, %arg21: memref<!tpu.dma_semaphore, #tpu.memory_space<semaphore_mem>>, %arg22: memref<!tpu.dma_semaphore, #tpu.memory_space<semaphore_mem>>, %arg23: memref<!tpu.dma_semaphore, #tpu.memory_space<semaphore_mem>>) attributes {dimension_semantics = [#tpu.dimension_semantics<core_parallel>, #tpu.dimension_semantics<subcore_parallel>], iteration_bounds = array<i64: 2, 16>, scalar_prefetch = 0 : i64, scratch_operands = 18 : i64, tpu.core_type = #tpu.core_type<sc_vector_subcore>, window_params = [{transform_indices = #map}, {transform_indices = #map1}, {transform_indices = #map}, {transform_indices = #map2}]} {
    %mul3A = arith.constant 2 : i32
    %mul3A_0 = arith.muli %arg1, %mul3A : i32
    %add3A = arith.addi %mul3A_0, %arg0 : i32
    %mul3A_1 = arith.constant 632 : i32
    %mul3A_2 = arith.muli %arg1, %mul3A_1 : i32
    %run_scoped3A = arith.constant 0 : i32
    "tpu.region"() ({
      %run_scoped3A_71 = tpu.sem_alloc : memref<!tpu.dma_semaphore, #tpu.memory_space<semaphore_mem>>
      %dma_start3A_72 = arith.constant 0 : i32
      %dma_start3A_73 = arith.constant 0 : i32
      %dma_start3A_74 = tpu.memref_slice %arg3[%run_scoped3A, %add3A, %dma_start3A_72, %dma_start3A_73] : memref<2x32x250x40xi32, #tpu.memory_space<hbm>> -> memref<1x1x250x40xi32, #tpu.memory_space<hbm>>
      %dma_start3A_75 = tpu.memref_squeeze %dma_start3A_74 : memref<1x1x250x40xi32, #tpu.memory_space<hbm>> -> memref<250x40xi32, #tpu.memory_space<hbm>>
      %dma_start3A_76 = arith.constant 0 : i32
      %dma_start3A_77 = arith.constant 0 : i32
      %dma_start3A_78 = tpu.memref_slice %arg3[%run_scoped3A, %add3A, %dma_start3A_76, %dma_start3A_77] : memref<2x32x250x40xi32, #tpu.memory_space<hbm>> -> memref<1x1x250x40xi32, #tpu.memory_space<hbm>>
      %dma_start3A_79 = tpu.memref_squeeze %dma_start3A_78 : memref<1x1x250x40xi32, #tpu.memory_space<hbm>> -> memref<250x40xi32, #tpu.memory_space<hbm>>
      tpu.enqueue_dma source(%dma_start3A_79 : memref<250x40xi32, #tpu.memory_space<hbm>>) target(%arg6 : memref<250x40xi32, #tpu.memory_space<vmem>>) target_semaphore(%run_scoped3A_71 : memref<!tpu.dma_semaphore, #tpu.memory_space<semaphore_mem>>)
      %dma_wait3A_80 = arith.constant 0 : i32
      %dma_wait3A_81 = arith.constant 0 : i32
      %dma_wait3A_82 = tpu.memref_slice %arg3[%run_scoped3A, %add3A, %dma_wait3A_80, %dma_wait3A_81] : memref<2x32x250x40xi32, #tpu.memory_space<hbm>> -> memref<1x1x250x40xi32, #tpu.memory_space<hbm>>
      %dma_wait3A_83 = tpu.memref_squeeze %dma_wait3A_82 : memref<1x1x250x40xi32, #tpu.memory_space<hbm>> -> memref<250x40xi32, #tpu.memory_space<hbm>>
      %dma_wait3A_84 = arith.constant 0 : i32
      %dma_wait3A_85 = arith.constant 0 : i32
      %dma_wait3A_86 = tpu.memref_slice %arg3[%run_scoped3A, %add3A, %dma_wait3A_84, %dma_wait3A_85] : memref<2x32x250x40xi32, #tpu.memory_space<hbm>> -> memref<1x1x250x40xi32, #tpu.memory_space<hbm>>
      %dma_wait3A_87 = tpu.memref_squeeze %dma_wait3A_86 : memref<1x1x250x40xi32, #tpu.memory_space<hbm>> -> memref<250x40xi32, #tpu.memory_space<hbm>>
      tpu.wait_dma2 semaphore(%run_scoped3A_71 : memref<!tpu.dma_semaphore, #tpu.memory_space<semaphore_mem>>) src(%dma_wait3A_87 : memref<250x40xi32, #tpu.memory_space<hbm>>) dst(%arg6 : memref<250x40xi32, #tpu.memory_space<vmem>>)
      tpu.yield
    }) : () -> ()
    %run_scoped3A_3 = arith.constant 1 : i32
    "tpu.region"() ({
      %run_scoped3A_71 = tpu.sem_alloc : memref<!tpu.dma_semaphore, #tpu.memory_space<semaphore_mem>>
      %dma_start3A_72 = arith.constant 0 : i32
      %dma_start3A_73 = arith.constant 0 : i32
      %dma_start3A_74 = tpu.memref_slice %arg3[%run_scoped3A_3, %add3A, %dma_start3A_72, %dma_start3A_73] : memref<2x32x250x40xi32, #tpu.memory_space<hbm>> -> memref<1x1x250x40xi32, #tpu.memory_space<hbm>>
      %dma_start3A_75 = tpu.memref_squeeze %dma_start3A_74 : memref<1x1x250x40xi32, #tpu.memory_space<hbm>> -> memref<250x40xi32, #tpu.memory_space<hbm>>
      %dma_start3A_76 = arith.constant 0 : i32
      %dma_start3A_77 = arith.constant 0 : i32
      %dma_start3A_78 = tpu.memref_slice %arg3[%run_scoped3A_3, %add3A, %dma_start3A_76, %dma_start3A_77] : memref<2x32x250x40xi32, #tpu.memory_space<hbm>> -> memref<1x1x250x40xi32, #tpu.memory_space<hbm>>
      %dma_start3A_79 = tpu.memref_squeeze %dma_start3A_78 : memref<1x1x250x40xi32, #tpu.memory_space<hbm>> -> memref<250x40xi32, #tpu.memory_space<hbm>>
      tpu.enqueue_dma source(%dma_start3A_79 : memref<250x40xi32, #tpu.memory_space<hbm>>) target(%arg7 : memref<250x40xi32, #tpu.memory_space<vmem>>) target_semaphore(%run_scoped3A_71 : memref<!tpu.dma_semaphore, #tpu.memory_space<semaphore_mem>>)
      %dma_wait3A_80 = arith.constant 0 : i32
      %dma_wait3A_81 = arith.constant 0 : i32
      %dma_wait3A_82 = tpu.memref_slice %arg3[%run_scoped3A_3, %add3A, %dma_wait3A_80, %dma_wait3A_81] : memref<2x32x250x40xi32, #tpu.memory_space<hbm>> -> memref<1x1x250x40xi32, #tpu.memory_space<hbm>>
      %dma_wait3A_83 = tpu.memref_squeeze %dma_wait3A_82 : memref<1x1x250x40xi32, #tpu.memory_space<hbm>> -> memref<250x40xi32, #tpu.memory_space<hbm>>
      %dma_wait3A_84 = arith.constant 0 : i32
      %dma_wait3A_85 = arith.constant 0 : i32
      %dma_wait3A_86 = tpu.memref_slice %arg3[%run_scoped3A_3, %add3A, %dma_wait3A_84, %dma_wait3A_85] : memref<2x32x250x40xi32, #tpu.memory_space<hbm>> -> memref<1x1x250x40xi32, #tpu.memory_space<hbm>>
      %dma_wait3A_87 = tpu.memref_squeeze %dma_wait3A_86 : memref<1x1x250x40xi32, #tpu.memory_space<hbm>> -> memref<250x40xi32, #tpu.memory_space<hbm>>
      tpu.wait_dma2 semaphore(%run_scoped3A_71 : memref<!tpu.dma_semaphore, #tpu.memory_space<semaphore_mem>>) src(%dma_wait3A_87 : memref<250x40xi32, #tpu.memory_space<hbm>>) dst(%arg7 : memref<250x40xi32, #tpu.memory_space<vmem>>)
      tpu.yield
    }) : () -> ()
    "tpu.region"() ({
      %run_scoped3A_71 = tpu.sem_alloc : memref<!tpu.dma_semaphore, #tpu.memory_space<semaphore_mem>>
      %dma_start3A_72 = arith.constant 0 : i32
      %dma_start3A_73 = tpu.memref_slice %arg13[%mul3A_2, %dma_start3A_72] : memref<10112x128xf32, #tpu.memory_space<vmem_shared>> -> memref<632x128xf32, #tpu.memory_space<vmem_shared>>
      tpu.enqueue_dma source(%arg4 : memref<632x128xf32, #tpu.memory_space<hbm>>) target(%dma_start3A_73 : memref<632x128xf32, #tpu.memory_space<vmem_shared>>) target_semaphore(%run_scoped3A_71 : memref<!tpu.dma_semaphore, #tpu.memory_space<semaphore_mem>>)
      %dma_wait3A_74 = arith.constant 0 : i32
      %dma_wait3A_75 = tpu.memref_slice %arg13[%mul3A_2, %dma_wait3A_74] : memref<10112x128xf32, #tpu.memory_space<vmem_shared>> -> memref<632x128xf32, #tpu.memory_space<vmem_shared>>
      tpu.wait_dma2 semaphore(%run_scoped3A_71 : memref<!tpu.dma_semaphore, #tpu.memory_space<semaphore_mem>>) src(%arg4 : memref<632x128xf32, #tpu.memory_space<hbm>>) dst(%dma_wait3A_75 : memref<632x128xf32, #tpu.memory_space<vmem_shared>>)
      tpu.yield
    }) : () -> ()
    %barrier3A = arith.constant 0 : index
    tpu.barrier barrier_id(%barrier3A)
    %dma_start3A = arith.constant 0 : i32
    %dma_start3A_4 = arith.constant 0 : i32
    %dma_start3A_5 = tpu.memref_slice %arg6[%dma_start3A, %dma_start3A_4] : memref<250x40xi32, #tpu.memory_space<vmem>> -> memref<1x40xi32, #tpu.memory_space<vmem>>
    %dma_start3A_6 = tpu.memref_squeeze %dma_start3A_5 : memref<1x40xi32, #tpu.memory_space<vmem>> -> memref<40xi32, #tpu.memory_space<vmem>>
    %dma_start3A_7 = arith.constant 0 : i32
    %dma_start3A_8 = arith.constant 0 : i32
    %dma_start3A_9 = tpu.memref_slice %arg2[%dma_start3A_7, %dma_start3A_8] : memref<10000x128xf32, #tpu.memory_space<hbm>> -> memref<10000x128xf32, #tpu.memory_space<hbm>>
    tpu.enqueue_indirect_dma source(%dma_start3A_9 : memref<10000x128xf32, #tpu.memory_space<hbm>>) target(%arg8 : memref<40x128xf32, #tpu.memory_space<vmem>>) offsets(%dma_start3A_6 : memref<40xi32, #tpu.memory_space<vmem>>) semaphore(%arg14 : memref<!tpu.dma_semaphore, #tpu.memory_space<semaphore_mem>>)
    %dma_start3A_10 = arith.constant 1 : i32
    %dma_start3A_11 = arith.constant 0 : i32
    %dma_start3A_12 = tpu.memref_slice %arg6[%dma_start3A_10, %dma_start3A_11] : memref<250x40xi32, #tpu.memory_space<vmem>> -> memref<1x40xi32, #tpu.memory_space<vmem>>
    %dma_start3A_13 = tpu.memref_squeeze %dma_start3A_12 : memref<1x40xi32, #tpu.memory_space<vmem>> -> memref<40xi32, #tpu.memory_space<vmem>>
    %dma_start3A_14 = arith.constant 0 : i32
    %dma_start3A_15 = arith.constant 0 : i32
    %dma_start3A_16 = tpu.memref_slice %arg2[%dma_start3A_14, %dma_start3A_15] : memref<10000x128xf32, #tpu.memory_space<hbm>> -> memref<10000x128xf32, #tpu.memory_space<hbm>>
    tpu.enqueue_indirect_dma source(%dma_start3A_16 : memref<10000x128xf32, #tpu.memory_space<hbm>>) target(%arg9 : memref<40x128xf32, #tpu.memory_space<vmem>>) offsets(%dma_start3A_13 : memref<40xi32, #tpu.memory_space<vmem>>) semaphore(%arg15 : memref<!tpu.dma_semaphore, #tpu.memory_space<semaphore_mem>>)
    %dma_start3A_17 = arith.constant 2 : i32
    %dma_start3A_18 = arith.constant 0 : i32
    %dma_start3A_19 = tpu.memref_slice %arg6[%dma_start3A_17, %dma_start3A_18] : memref<250x40xi32, #tpu.memory_space<vmem>> -> memref<1x40xi32, #tpu.memory_space<vmem>>
    %dma_start3A_20 = tpu.memref_squeeze %dma_start3A_19 : memref<1x40xi32, #tpu.memory_space<vmem>> -> memref<40xi32, #tpu.memory_space<vmem>>
    %dma_start3A_21 = arith.constant 0 : i32
    %dma_start3A_22 = arith.constant 0 : i32
    %dma_start3A_23 = tpu.memref_slice %arg2[%dma_start3A_21, %dma_start3A_22] : memref<10000x128xf32, #tpu.memory_space<hbm>> -> memref<10000x128xf32, #tpu.memory_space<hbm>>
    tpu.enqueue_indirect_dma source(%dma_start3A_23 : memref<10000x128xf32, #tpu.memory_space<hbm>>) target(%arg10 : memref<40x128xf32, #tpu.memory_space<vmem>>) offsets(%dma_start3A_20 : memref<40xi32, #tpu.memory_space<vmem>>) semaphore(%arg16 : memref<!tpu.dma_semaphore, #tpu.memory_space<semaphore_mem>>)
    %dma_start3A_24 = arith.constant 3 : i32
    %dma_start3A_25 = arith.constant 0 : i32
    %dma_start3A_26 = tpu.memref_slice %arg6[%dma_start3A_24, %dma_start3A_25] : memref<250x40xi32, #tpu.memory_space<vmem>> -> memref<1x40xi32, #tpu.memory_space<vmem>>
    %dma_start3A_27 = tpu.memref_squeeze %dma_start3A_26 : memref<1x40xi32, #tpu.memory_space<vmem>> -> memref<40xi32, #tpu.memory_space<vmem>>
    %dma_start3A_28 = arith.constant 0 : i32
    %dma_start3A_29 = arith.constant 0 : i32
    %dma_start3A_30 = tpu.memref_slice %arg2[%dma_start3A_28, %dma_start3A_29] : memref<10000x128xf32, #tpu.memory_space<hbm>> -> memref<10000x128xf32, #tpu.memory_space<hbm>>
    tpu.enqueue_indirect_dma source(%dma_start3A_30 : memref<10000x128xf32, #tpu.memory_space<hbm>>) target(%arg11 : memref<40x128xf32, #tpu.memory_space<vmem>>) offsets(%dma_start3A_27 : memref<40xi32, #tpu.memory_space<vmem>>) semaphore(%arg17 : memref<!tpu.dma_semaphore, #tpu.memory_space<semaphore_mem>>)
    %scan3A = arith.constant 0 : i32
    %scan3A_31 = arith.constant 0 : i32
    %scan3A_32 = arith.constant 50 : i32
    %scan3A_33 = arith.addi %scan3A_31, %scan3A_32 : i32
    %scan3A_34 = arith.constant 1 : i32
    scf.for %scan3A_71 = %scan3A_31 to %scan3A_33 step %scan3A_34  : i32 {
      %mul3A_72 = arith.constant 5 : i32
      %mul3A_73 = arith.muli %scan3A_71, %mul3A_72 : i32
      %add3A_74 = arith.constant 0 : i32
      %add3A_75 = arith.addi %mul3A_73, %add3A_74 : i32
      %add3A_76 = arith.constant 5 : i32
      %add3A_77 = arith.addi %add3A_75, %add3A_76 : i32
      %sub3A = arith.constant 1 : i32
      %sub3A_78 = arith.subi %add3A_77, %sub3A : i32
      %lt3A = arith.constant 250 : i32
      %lt3A_79 = arith.cmpi slt, %sub3A_78, %lt3A : i32
      %convert_element_type3A = arith.extui %lt3A_79 : i1 to i32
      %cond3A = arith.constant 0 : i32
      %cond3A_80 = arith.cmpi ne, %convert_element_type3A, %cond3A : i32
      scf.if %cond3A_80 {
        %ge3A = arith.constant 1 : i32
        %ge3A_193 = arith.cmpi sge, %add3A_75, %ge3A : i32
        %convert_element_type3A_194 = arith.extui %ge3A_193 : i1 to i32
        %cond3A_195 = arith.constant 0 : i32
        %cond3A_196 = arith.cmpi ne, %convert_element_type3A_194, %cond3A_195 : i32
        scf.if %cond3A_196 {
          %dma_wait3A_203 = arith.constant 0 : i32
          %dma_wait3A_204 = arith.constant 0 : i32
          %dma_wait3A_205 = tpu.memref_slice %arg7[%dma_wait3A_203, %dma_wait3A_204] : memref<250x40xi32, #tpu.memory_space<vmem>> -> memref<1x40xi32, #tpu.memory_space<vmem>>
          %dma_wait3A_206 = tpu.memref_squeeze %dma_wait3A_205 : memref<1x40xi32, #tpu.memory_space<vmem>> -> memref<40xi32, #tpu.memory_space<vmem>>
          %dma_wait3A_207 = arith.constant 0 : i32
          %dma_wait3A_208 = arith.constant 0 : i32
          %dma_wait3A_209 = tpu.memref_slice %arg13[%dma_wait3A_207, %dma_wait3A_208] : memref<10112x128xf32, #tpu.memory_space<vmem_shared>> -> memref<10112x128xf32, #tpu.memory_space<vmem_shared>>
          tpu.wait_indirect_dma semaphore(%arg23 : memref<!tpu.dma_semaphore, #tpu.memory_space<semaphore_mem>>) src(%arg12 : memref<40x128xf32, #tpu.memory_space<vmem>>) dst(%dma_wait3A_209 : memref<10112x128xf32, #tpu.memory_space<vmem_shared>>)
        } else {
        }
        %dma_start3A_197 = arith.constant 0 : i32
        %dma_start3A_198 = tpu.memref_slice %arg6[%sub3A_78, %dma_start3A_197] : memref<250x40xi32, #tpu.memory_space<vmem>> -> memref<1x40xi32, #tpu.memory_space<vmem>>
        %dma_start3A_199 = tpu.memref_squeeze %dma_start3A_198 : memref<1x40xi32, #tpu.memory_space<vmem>> -> memref<40xi32, #tpu.memory_space<vmem>>
        %dma_start3A_200 = arith.constant 0 : i32
        %dma_start3A_201 = arith.constant 0 : i32
        %dma_start3A_202 = tpu.memref_slice %arg2[%dma_start3A_200, %dma_start3A_201] : memref<10000x128xf32, #tpu.memory_space<hbm>> -> memref<10000x128xf32, #tpu.memory_space<hbm>>
        tpu.enqueue_indirect_dma source(%dma_start3A_202 : memref<10000x128xf32, #tpu.memory_space<hbm>>) target(%arg12 : memref<40x128xf32, #tpu.memory_space<vmem>>) offsets(%dma_start3A_199 : memref<40xi32, #tpu.memory_space<vmem>>) semaphore(%arg18 : memref<!tpu.dma_semaphore, #tpu.memory_space<semaphore_mem>>)
      } else {
      }
      %dma_wait3A_81 = arith.constant 0 : i32
      %dma_wait3A_82 = arith.constant 0 : i32
      %dma_wait3A_83 = tpu.memref_slice %arg2[%dma_wait3A_81, %dma_wait3A_82] : memref<10000x128xf32, #tpu.memory_space<hbm>> -> memref<40x128xf32, #tpu.memory_space<hbm>>
      %dma_wait3A_84 = arith.constant 0 : i32
      %dma_wait3A_85 = arith.constant 0 : i32
      %dma_wait3A_86 = tpu.memref_slice %arg2[%dma_wait3A_84, %dma_wait3A_85] : memref<10000x128xf32, #tpu.memory_space<hbm>> -> memref<40x128xf32, #tpu.memory_space<hbm>>
      tpu.wait_dma2 semaphore(%arg14 : memref<!tpu.dma_semaphore, #tpu.memory_space<semaphore_mem>>) src(%dma_wait3A_86 : memref<40x128xf32, #tpu.memory_space<hbm>>) dst(%arg8 : memref<40x128xf32, #tpu.memory_space<vmem>>)
      %dma_start3A_87 = arith.constant 0 : i32
      %dma_start3A_88 = tpu.memref_slice %arg7[%add3A_75, %dma_start3A_87] : memref<250x40xi32, #tpu.memory_space<vmem>> -> memref<1x40xi32, #tpu.memory_space<vmem>>
      %dma_start3A_89 = tpu.memref_squeeze %dma_start3A_88 : memref<1x40xi32, #tpu.memory_space<vmem>> -> memref<40xi32, #tpu.memory_space<vmem>>
      %dma_start3A_90 = arith.constant 0 : i32
      %dma_start3A_91 = arith.constant 0 : i32
      %dma_start3A_92 = tpu.memref_slice %arg13[%dma_start3A_90, %dma_start3A_91] : memref<10112x128xf32, #tpu.memory_space<vmem_shared>> -> memref<10112x128xf32, #tpu.memory_space<vmem_shared>>
      tpu.enqueue_indirect_dma source(%arg8 : memref<40x128xf32, #tpu.memory_space<vmem>>) target(%dma_start3A_92 : memref<10112x128xf32, #tpu.memory_space<vmem_shared>>) offsets(%dma_start3A_89 : memref<40xi32, #tpu.memory_space<vmem>>) semaphore(%arg19 : memref<!tpu.dma_semaphore, #tpu.memory_space<semaphore_mem>>) {add = true}
      %mul3A_93 = arith.constant 5 : i32
      %mul3A_94 = arith.muli %scan3A_71, %mul3A_93 : i32
      %add3A_95 = arith.constant 1 : i32
      %add3A_96 = arith.addi %mul3A_94, %add3A_95 : i32
      %add3A_97 = arith.constant 5 : i32
      %add3A_98 = arith.addi %add3A_96, %add3A_97 : i32
      %sub3A_99 = arith.constant 1 : i32
      %sub3A_100 = arith.subi %add3A_98, %sub3A_99 : i32
      %lt3A_101 = arith.constant 250 : i32
      %lt3A_102 = arith.cmpi slt, %sub3A_100, %lt3A_101 : i32
      %convert_element_type3A_103 = arith.extui %lt3A_102 : i1 to i32
      %cond3A_104 = arith.constant 0 : i32
      %cond3A_105 = arith.cmpi ne, %convert_element_type3A_103, %cond3A_104 : i32
      scf.if %cond3A_105 {
        %ge3A = arith.constant 1 : i32
        %ge3A_193 = arith.cmpi sge, %add3A_96, %ge3A : i32
        %convert_element_type3A_194 = arith.extui %ge3A_193 : i1 to i32
        %cond3A_195 = arith.constant 0 : i32
        %cond3A_196 = arith.cmpi ne, %convert_element_type3A_194, %cond3A_195 : i32
        scf.if %cond3A_196 {
          %dma_wait3A_203 = arith.constant 0 : i32
          %dma_wait3A_204 = arith.constant 0 : i32
          %dma_wait3A_205 = tpu.memref_slice %arg7[%dma_wait3A_203, %dma_wait3A_204] : memref<250x40xi32, #tpu.memory_space<vmem>> -> memref<1x40xi32, #tpu.memory_space<vmem>>
          %dma_wait3A_206 = tpu.memref_squeeze %dma_wait3A_205 : memref<1x40xi32, #tpu.memory_space<vmem>> -> memref<40xi32, #tpu.memory_space<vmem>>
          %dma_wait3A_207 = arith.constant 0 : i32
          %dma_wait3A_208 = arith.constant 0 : i32
          %dma_wait3A_209 = tpu.memref_slice %arg13[%dma_wait3A_207, %dma_wait3A_208] : memref<10112x128xf32, #tpu.memory_space<vmem_shared>> -> memref<10112x128xf32, #tpu.memory_space<vmem_shared>>
          tpu.wait_indirect_dma semaphore(%arg19 : memref<!tpu.dma_semaphore, #tpu.memory_space<semaphore_mem>>) src(%arg8 : memref<40x128xf32, #tpu.memory_space<vmem>>) dst(%dma_wait3A_209 : memref<10112x128xf32, #tpu.memory_space<vmem_shared>>)
        } else {
        }
        %dma_start3A_197 = arith.constant 0 : i32
        %dma_start3A_198 = tpu.memref_slice %arg6[%sub3A_100, %dma_start3A_197] : memref<250x40xi32, #tpu.memory_space<vmem>> -> memref<1x40xi32, #tpu.memory_space<vmem>>
        %dma_start3A_199 = tpu.memref_squeeze %dma_start3A_198 : memref<1x40xi32, #tpu.memory_space<vmem>> -> memref<40xi32, #tpu.memory_space<vmem>>
        %dma_start3A_200 = arith.constant 0 : i32
        %dma_start3A_201 = arith.constant 0 : i32
        %dma_start3A_202 = tpu.memref_slice %arg2[%dma_start3A_200, %dma_start3A_201] : memref<10000x128xf32, #tpu.memory_space<hbm>> -> memref<10000x128xf32, #tpu.memory_space<hbm>>
        tpu.enqueue_indirect_dma source(%dma_start3A_202 : memref<10000x128xf32, #tpu.memory_space<hbm>>) target(%arg8 : memref<40x128xf32, #tpu.memory_space<vmem>>) offsets(%dma_start3A_199 : memref<40xi32, #tpu.memory_space<vmem>>) semaphore(%arg14 : memref<!tpu.dma_semaphore, #tpu.memory_space<semaphore_mem>>)
      } else {
      }
      %dma_wait3A_106 = arith.constant 0 : i32
      %dma_wait3A_107 = arith.constant 0 : i32
      %dma_wait3A_108 = tpu.memref_slice %arg2[%dma_wait3A_106, %dma_wait3A_107] : memref<10000x128xf32, #tpu.memory_space<hbm>> -> memref<40x128xf32, #tpu.memory_space<hbm>>
      %dma_wait3A_109 = arith.constant 0 : i32
      %dma_wait3A_110 = arith.constant 0 : i32
      %dma_wait3A_111 = tpu.memref_slice %arg2[%dma_wait3A_109, %dma_wait3A_110] : memref<10000x128xf32, #tpu.memory_space<hbm>> -> memref<40x128xf32, #tpu.memory_space<hbm>>
      tpu.wait_dma2 semaphore(%arg15 : memref<!tpu.dma_semaphore, #tpu.memory_space<semaphore_mem>>) src(%dma_wait3A_111 : memref<40x128xf32, #tpu.memory_space<hbm>>) dst(%arg9 : memref<40x128xf32, #tpu.memory_space<vmem>>)
      %dma_start3A_112 = arith.constant 0 : i32
      %dma_start3A_113 = tpu.memref_slice %arg7[%add3A_96, %dma_start3A_112] : memref<250x40xi32, #tpu.memory_space<vmem>> -> memref<1x40xi32, #tpu.memory_space<vmem>>
      %dma_start3A_114 = tpu.memref_squeeze %dma_start3A_113 : memref<1x40xi32, #tpu.memory_space<vmem>> -> memref<40xi32, #tpu.memory_space<vmem>>
      %dma_start3A_115 = arith.constant 0 : i32
      %dma_start3A_116 = arith.constant 0 : i32
      %dma_start3A_117 = tpu.memref_slice %arg13[%dma_start3A_115, %dma_start3A_116] : memref<10112x128xf32, #tpu.memory_space<vmem_shared>> -> memref<10112x128xf32, #tpu.memory_space<vmem_shared>>
      tpu.enqueue_indirect_dma source(%arg9 : memref<40x128xf32, #tpu.memory_space<vmem>>) target(%dma_start3A_117 : memref<10112x128xf32, #tpu.memory_space<vmem_shared>>) offsets(%dma_start3A_114 : memref<40xi32, #tpu.memory_space<vmem>>) semaphore(%arg20 : memref<!tpu.dma_semaphore, #tpu.memory_space<semaphore_mem>>) {add = true}
      %mul3A_118 = arith.constant 5 : i32
      %mul3A_119 = arith.muli %scan3A_71, %mul3A_118 : i32
      %add3A_120 = arith.constant 2 : i32
      %add3A_121 = arith.addi %mul3A_119, %add3A_120 : i32
      %add3A_122 = arith.constant 5 : i32
      %add3A_123 = arith.addi %add3A_121, %add3A_122 : i32
      %sub3A_124 = arith.constant 1 : i32
      %sub3A_125 = arith.subi %add3A_123, %sub3A_124 : i32
      %lt3A_126 = arith.constant 250 : i32
      %lt3A_127 = arith.cmpi slt, %sub3A_125, %lt3A_126 : i32
      %convert_element_type3A_128 = arith.extui %lt3A_127 : i1 to i32
      %cond3A_129 = arith.constant 0 : i32
      %cond3A_130 = arith.cmpi ne, %convert_element_type3A_128, %cond3A_129 : i32
      scf.if %cond3A_130 {
        %ge3A = arith.constant 1 : i32
        %ge3A_193 = arith.cmpi sge, %add3A_121, %ge3A : i32
        %convert_element_type3A_194 = arith.extui %ge3A_193 : i1 to i32
        %cond3A_195 = arith.constant 0 : i32
        %cond3A_196 = arith.cmpi ne, %convert_element_type3A_194, %cond3A_195 : i32
        scf.if %cond3A_196 {
          %dma_wait3A_203 = arith.constant 0 : i32
          %dma_wait3A_204 = arith.constant 0 : i32
          %dma_wait3A_205 = tpu.memref_slice %arg7[%dma_wait3A_203, %dma_wait3A_204] : memref<250x40xi32, #tpu.memory_space<vmem>> -> memref<1x40xi32, #tpu.memory_space<vmem>>
          %dma_wait3A_206 = tpu.memref_squeeze %dma_wait3A_205 : memref<1x40xi32, #tpu.memory_space<vmem>> -> memref<40xi32, #tpu.memory_space<vmem>>
          %dma_wait3A_207 = arith.constant 0 : i32
          %dma_wait3A_208 = arith.constant 0 : i32
          %dma_wait3A_209 = tpu.memref_slice %arg13[%dma_wait3A_207, %dma_wait3A_208] : memref<10112x128xf32, #tpu.memory_space<vmem_shared>> -> memref<10112x128xf32, #tpu.memory_space<vmem_shared>>
          tpu.wait_indirect_dma semaphore(%arg20 : memref<!tpu.dma_semaphore, #tpu.memory_space<semaphore_mem>>) src(%arg9 : memref<40x128xf32, #tpu.memory_space<vmem>>) dst(%dma_wait3A_209 : memref<10112x128xf32, #tpu.memory_space<vmem_shared>>)
        } else {
        }
        %dma_start3A_197 = arith.constant 0 : i32
        %dma_start3A_198 = tpu.memref_slice %arg6[%sub3A_125, %dma_start3A_197] : memref<250x40xi32, #tpu.memory_space<vmem>> -> memref<1x40xi32, #tpu.memory_space<vmem>>
        %dma_start3A_199 = tpu.memref_squeeze %dma_start3A_198 : memref<1x40xi32, #tpu.memory_space<vmem>> -> memref<40xi32, #tpu.memory_space<vmem>>
        %dma_start3A_200 = arith.constant 0 : i32
        %dma_start3A_201 = arith.constant 0 : i32
        %dma_start3A_202 = tpu.memref_slice %arg2[%dma_start3A_200, %dma_start3A_201] : memref<10000x128xf32, #tpu.memory_space<hbm>> -> memref<10000x128xf32, #tpu.memory_space<hbm>>
        tpu.enqueue_indirect_dma source(%dma_start3A_202 : memref<10000x128xf32, #tpu.memory_space<hbm>>) target(%arg9 : memref<40x128xf32, #tpu.memory_space<vmem>>) offsets(%dma_start3A_199 : memref<40xi32, #tpu.memory_space<vmem>>) semaphore(%arg15 : memref<!tpu.dma_semaphore, #tpu.memory_space<semaphore_mem>>)
      } else {
      }
      %dma_wait3A_131 = arith.constant 0 : i32
      %dma_wait3A_132 = arith.constant 0 : i32
      %dma_wait3A_133 = tpu.memref_slice %arg2[%dma_wait3A_131, %dma_wait3A_132] : memref<10000x128xf32, #tpu.memory_space<hbm>> -> memref<40x128xf32, #tpu.memory_space<hbm>>
      %dma_wait3A_134 = arith.constant 0 : i32
      %dma_wait3A_135 = arith.constant 0 : i32
      %dma_wait3A_136 = tpu.memref_slice %arg2[%dma_wait3A_134, %dma_wait3A_135] : memref<10000x128xf32, #tpu.memory_space<hbm>> -> memref<40x128xf32, #tpu.memory_space<hbm>>
      tpu.wait_dma2 semaphore(%arg16 : memref<!tpu.dma_semaphore, #tpu.memory_space<semaphore_mem>>) src(%dma_wait3A_136 : memref<40x128xf32, #tpu.memory_space<hbm>>) dst(%arg10 : memref<40x128xf32, #tpu.memory_space<vmem>>)
      %dma_start3A_137 = arith.constant 0 : i32
      %dma_start3A_138 = tpu.memref_slice %arg7[%add3A_121, %dma_start3A_137] : memref<250x40xi32, #tpu.memory_space<vmem>> -> memref<1x40xi32, #tpu.memory_space<vmem>>
      %dma_start3A_139 = tpu.memref_squeeze %dma_start3A_138 : memref<1x40xi32, #tpu.memory_space<vmem>> -> memref<40xi32, #tpu.memory_space<vmem>>
      %dma_start3A_140 = arith.constant 0 : i32
      %dma_start3A_141 = arith.constant 0 : i32
      %dma_start3A_142 = tpu.memref_slice %arg13[%dma_start3A_140, %dma_start3A_141] : memref<10112x128xf32, #tpu.memory_space<vmem_shared>> -> memref<10112x128xf32, #tpu.memory_space<vmem_shared>>
      tpu.enqueue_indirect_dma source(%arg10 : memref<40x128xf32, #tpu.memory_space<vmem>>) target(%dma_start3A_142 : memref<10112x128xf32, #tpu.memory_space<vmem_shared>>) offsets(%dma_start3A_139 : memref<40xi32, #tpu.memory_space<vmem>>) semaphore(%arg21 : memref<!tpu.dma_semaphore, #tpu.memory_space<semaphore_mem>>) {add = true}
      %mul3A_143 = arith.constant 5 : i32
      %mul3A_144 = arith.muli %scan3A_71, %mul3A_143 : i32
      %add3A_145 = arith.constant 3 : i32
      %add3A_146 = arith.addi %mul3A_144, %add3A_145 : i32
      %add3A_147 = arith.constant 5 : i32
      %add3A_148 = arith.addi %add3A_146, %add3A_147 : i32
      %sub3A_149 = arith.constant 1 : i32
      %sub3A_150 = arith.subi %add3A_148, %sub3A_149 : i32
      %lt3A_151 = arith.constant 250 : i32
      %lt3A_152 = arith.cmpi slt, %sub3A_150, %lt3A_151 : i32
      %convert_element_type3A_153 = arith.extui %lt3A_152 : i1 to i32
      %cond3A_154 = arith.constant 0 : i32
      %cond3A_155 = arith.cmpi ne, %convert_element_type3A_153, %cond3A_154 : i32
      scf.if %cond3A_155 {
        %ge3A = arith.constant 1 : i32
        %ge3A_193 = arith.cmpi sge, %add3A_146, %ge3A : i32
        %convert_element_type3A_194 = arith.extui %ge3A_193 : i1 to i32
        %cond3A_195 = arith.constant 0 : i32
        %cond3A_196 = arith.cmpi ne, %convert_element_type3A_194, %cond3A_195 : i32
        scf.if %cond3A_196 {
          %dma_wait3A_203 = arith.constant 0 : i32
          %dma_wait3A_204 = arith.constant 0 : i32
          %dma_wait3A_205 = tpu.memref_slice %arg7[%dma_wait3A_203, %dma_wait3A_204] : memref<250x40xi32, #tpu.memory_space<vmem>> -> memref<1x40xi32, #tpu.memory_space<vmem>>
          %dma_wait3A_206 = tpu.memref_squeeze %dma_wait3A_205 : memref<1x40xi32, #tpu.memory_space<vmem>> -> memref<40xi32, #tpu.memory_space<vmem>>
          %dma_wait3A_207 = arith.constant 0 : i32
          %dma_wait3A_208 = arith.constant 0 : i32
          %dma_wait3A_209 = tpu.memref_slice %arg13[%dma_wait3A_207, %dma_wait3A_208] : memref<10112x128xf32, #tpu.memory_space<vmem_shared>> -> memref<10112x128xf32, #tpu.memory_space<vmem_shared>>
          tpu.wait_indirect_dma semaphore(%arg21 : memref<!tpu.dma_semaphore, #tpu.memory_space<semaphore_mem>>) src(%arg10 : memref<40x128xf32, #tpu.memory_space<vmem>>) dst(%dma_wait3A_209 : memref<10112x128xf32, #tpu.memory_space<vmem_shared>>)
        } else {
        }
        %dma_start3A_197 = arith.constant 0 : i32
        %dma_start3A_198 = tpu.memref_slice %arg6[%sub3A_150, %dma_start3A_197] : memref<250x40xi32, #tpu.memory_space<vmem>> -> memref<1x40xi32, #tpu.memory_space<vmem>>
        %dma_start3A_199 = tpu.memref_squeeze %dma_start3A_198 : memref<1x40xi32, #tpu.memory_space<vmem>> -> memref<40xi32, #tpu.memory_space<vmem>>
        %dma_start3A_200 = arith.constant 0 : i32
        %dma_start3A_201 = arith.constant 0 : i32
        %dma_start3A_202 = tpu.memref_slice %arg2[%dma_start3A_200, %dma_start3A_201] : memref<10000x128xf32, #tpu.memory_space<hbm>> -> memref<10000x128xf32, #tpu.memory_space<hbm>>
        tpu.enqueue_indirect_dma source(%dma_start3A_202 : memref<10000x128xf32, #tpu.memory_space<hbm>>) target(%arg10 : memref<40x128xf32, #tpu.memory_space<vmem>>) offsets(%dma_start3A_199 : memref<40xi32, #tpu.memory_space<vmem>>) semaphore(%arg16 : memref<!tpu.dma_semaphore, #tpu.memory_space<semaphore_mem>>)
      } else {
      }
      %dma_wait3A_156 = arith.constant 0 : i32
      %dma_wait3A_157 = arith.constant 0 : i32
      %dma_wait3A_158 = tpu.memref_slice %arg2[%dma_wait3A_156, %dma_wait3A_157] : memref<10000x128xf32, #tpu.memory_space<hbm>> -> memref<40x128xf32, #tpu.memory_space<hbm>>
      %dma_wait3A_159 = arith.constant 0 : i32
      %dma_wait3A_160 = arith.constant 0 : i32
      %dma_wait3A_161 = tpu.memref_slice %arg2[%dma_wait3A_159, %dma_wait3A_160] : memref<10000x128xf32, #tpu.memory_space<hbm>> -> memref<40x128xf32, #tpu.memory_space<hbm>>
      tpu.wait_dma2 semaphore(%arg17 : memref<!tpu.dma_semaphore, #tpu.memory_space<semaphore_mem>>) src(%dma_wait3A_161 : memref<40x128xf32, #tpu.memory_space<hbm>>) dst(%arg11 : memref<40x128xf32, #tpu.memory_space<vmem>>)
      %dma_start3A_162 = arith.constant 0 : i32
      %dma_start3A_163 = tpu.memref_slice %arg7[%add3A_146, %dma_start3A_162] : memref<250x40xi32, #tpu.memory_space<vmem>> -> memref<1x40xi32, #tpu.memory_space<vmem>>
      %dma_start3A_164 = tpu.memref_squeeze %dma_start3A_163 : memref<1x40xi32, #tpu.memory_space<vmem>> -> memref<40xi32, #tpu.memory_space<vmem>>
      %dma_start3A_165 = arith.constant 0 : i32
      %dma_start3A_166 = arith.constant 0 : i32
      %dma_start3A_167 = tpu.memref_slice %arg13[%dma_start3A_165, %dma_start3A_166] : memref<10112x128xf32, #tpu.memory_space<vmem_shared>> -> memref<10112x128xf32, #tpu.memory_space<vmem_shared>>
      tpu.enqueue_indirect_dma source(%arg11 : memref<40x128xf32, #tpu.memory_space<vmem>>) target(%dma_start3A_167 : memref<10112x128xf32, #tpu.memory_space<vmem_shared>>) offsets(%dma_start3A_164 : memref<40xi32, #tpu.memory_space<vmem>>) semaphore(%arg22 : memref<!tpu.dma_semaphore, #tpu.memory_space<semaphore_mem>>) {add = true}
      %mul3A_168 = arith.constant 5 : i32
      %mul3A_169 = arith.muli %scan3A_71, %mul3A_168 : i32
      %add3A_170 = arith.constant 4 : i32
      %add3A_171 = arith.addi %mul3A_169, %add3A_170 : i32
      %add3A_172 = arith.constant 5 : i32
      %add3A_173 = arith.addi %add3A_171, %add3A_172 : i32
      %sub3A_174 = arith.constant 1 : i32
      %sub3A_175 = arith.subi %add3A_173, %sub3A_174 : i32
      %lt3A_176 = arith.constant 250 : i32
      %lt3A_177 = arith.cmpi slt, %sub3A_175, %lt3A_176 : i32
      %convert_element_type3A_178 = arith.extui %lt3A_177 : i1 to i32
      %cond3A_179 = arith.constant 0 : i32
      %cond3A_180 = arith.cmpi ne, %convert_element_type3A_178, %cond3A_179 : i32
      scf.if %cond3A_180 {
        %ge3A = arith.constant 1 : i32
        %ge3A_193 = arith.cmpi sge, %add3A_171, %ge3A : i32
        %convert_element_type3A_194 = arith.extui %ge3A_193 : i1 to i32
        %cond3A_195 = arith.constant 0 : i32
        %cond3A_196 = arith.cmpi ne, %convert_element_type3A_194, %cond3A_195 : i32
        scf.if %cond3A_196 {
          %dma_wait3A_203 = arith.constant 0 : i32
          %dma_wait3A_204 = arith.constant 0 : i32
          %dma_wait3A_205 = tpu.memref_slice %arg7[%dma_wait3A_203, %dma_wait3A_204] : memref<250x40xi32, #tpu.memory_space<vmem>> -> memref<1x40xi32, #tpu.memory_space<vmem>>
          %dma_wait3A_206 = tpu.memref_squeeze %dma_wait3A_205 : memref<1x40xi32, #tpu.memory_space<vmem>> -> memref<40xi32, #tpu.memory_space<vmem>>
          %dma_wait3A_207 = arith.constant 0 : i32
          %dma_wait3A_208 = arith.constant 0 : i32
          %dma_wait3A_209 = tpu.memref_slice %arg13[%dma_wait3A_207, %dma_wait3A_208] : memref<10112x128xf32, #tpu.memory_space<vmem_shared>> -> memref<10112x128xf32, #tpu.memory_space<vmem_shared>>
          tpu.wait_indirect_dma semaphore(%arg22 : memref<!tpu.dma_semaphore, #tpu.memory_space<semaphore_mem>>) src(%arg11 : memref<40x128xf32, #tpu.memory_space<vmem>>) dst(%dma_wait3A_209 : memref<10112x128xf32, #tpu.memory_space<vmem_shared>>)
        } else {
        }
        %dma_start3A_197 = arith.constant 0 : i32
        %dma_start3A_198 = tpu.memref_slice %arg6[%sub3A_175, %dma_start3A_197] : memref<250x40xi32, #tpu.memory_space<vmem>> -> memref<1x40xi32, #tpu.memory_space<vmem>>
        %dma_start3A_199 = tpu.memref_squeeze %dma_start3A_198 : memref<1x40xi32, #tpu.memory_space<vmem>> -> memref<40xi32, #tpu.memory_space<vmem>>
        %dma_start3A_200 = arith.constant 0 : i32
        %dma_start3A_201 = arith.constant 0 : i32
        %dma_start3A_202 = tpu.memref_slice %arg2[%dma_start3A_200, %dma_start3A_201] : memref<10000x128xf32, #tpu.memory_space<hbm>> -> memref<10000x128xf32, #tpu.memory_space<hbm>>
        tpu.enqueue_indirect_dma source(%dma_start3A_202 : memref<10000x128xf32, #tpu.memory_space<hbm>>) target(%arg11 : memref<40x128xf32, #tpu.memory_space<vmem>>) offsets(%dma_start3A_199 : memref<40xi32, #tpu.memory_space<vmem>>) semaphore(%arg17 : memref<!tpu.dma_semaphore, #tpu.memory_space<semaphore_mem>>)
      } else {
      }
      %dma_wait3A_181 = arith.constant 0 : i32
      %dma_wait3A_182 = arith.constant 0 : i32
      %dma_wait3A_183 = tpu.memref_slice %arg2[%dma_wait3A_181, %dma_wait3A_182] : memref<10000x128xf32, #tpu.memory_space<hbm>> -> memref<40x128xf32, #tpu.memory_space<hbm>>
      %dma_wait3A_184 = arith.constant 0 : i32
      %dma_wait3A_185 = arith.constant 0 : i32
      %dma_wait3A_186 = tpu.memref_slice %arg2[%dma_wait3A_184, %dma_wait3A_185] : memref<10000x128xf32, #tpu.memory_space<hbm>> -> memref<40x128xf32, #tpu.memory_space<hbm>>
      tpu.wait_dma2 semaphore(%arg18 : memref<!tpu.dma_semaphore, #tpu.memory_space<semaphore_mem>>) src(%dma_wait3A_186 : memref<40x128xf32, #tpu.memory_space<hbm>>) dst(%arg12 : memref<40x128xf32, #tpu.memory_space<vmem>>)
      %dma_start3A_187 = arith.constant 0 : i32
      %dma_start3A_188 = tpu.memref_slice %arg7[%add3A_171, %dma_start3A_187] : memref<250x40xi32, #tpu.memory_space<vmem>> -> memref<1x40xi32, #tpu.memory_space<vmem>>
      %dma_start3A_189 = tpu.memref_squeeze %dma_start3A_188 : memref<1x40xi32, #tpu.memory_space<vmem>> -> memref<40xi32, #tpu.memory_space<vmem>>
      %dma_start3A_190 = arith.constant 0 : i32
      %dma_start3A_191 = arith.constant 0 : i32
      %dma_start3A_192 = tpu.memref_slice %arg13[%dma_start3A_190, %dma_start3A_191] : memref<10112x128xf32, #tpu.memory_space<vmem_shared>> -> memref<10112x128xf32, #tpu.memory_space<vmem_shared>>
      tpu.enqueue_indirect_dma source(%arg12 : memref<40x128xf32, #tpu.memory_space<vmem>>) target(%dma_start3A_192 : memref<10112x128xf32, #tpu.memory_space<vmem_shared>>) offsets(%dma_start3A_189 : memref<40xi32, #tpu.memory_space<vmem>>) semaphore(%arg23 : memref<!tpu.dma_semaphore, #tpu.memory_space<semaphore_mem>>) {add = true}
    }
    %scan3A_35 = arith.constant 50 : i32
    %dma_wait3A = arith.constant 0 : i32
    %dma_wait3A_36 = arith.constant 0 : i32
    %dma_wait3A_37 = tpu.memref_slice %arg7[%dma_wait3A, %dma_wait3A_36] : memref<250x40xi32, #tpu.memory_space<vmem>> -> memref<1x40xi32, #tpu.memory_space<vmem>>
    %dma_wait3A_38 = tpu.memref_squeeze %dma_wait3A_37 : memref<1x40xi32, #tpu.memory_space<vmem>> -> memref<40xi32, #tpu.memory_space<vmem>>
    %dma_wait3A_39 = arith.constant 0 : i32
    %dma_wait3A_40 = arith.constant 0 : i32
    %dma_wait3A_41 = tpu.memref_slice %arg13[%dma_wait3A_39, %dma_wait3A_40] : memref<10112x128xf32, #tpu.memory_space<vmem_shared>> -> memref<10112x128xf32, #tpu.memory_space<vmem_shared>>
    tpu.wait_indirect_dma semaphore(%arg19 : memref<!tpu.dma_semaphore, #tpu.memory_space<semaphore_mem>>) src(%arg8 : memref<40x128xf32, #tpu.memory_space<vmem>>) dst(%dma_wait3A_41 : memref<10112x128xf32, #tpu.memory_space<vmem_shared>>)
    %dma_wait3A_42 = arith.constant 0 : i32
    %dma_wait3A_43 = arith.constant 0 : i32
    %dma_wait3A_44 = tpu.memref_slice %arg7[%dma_wait3A_42, %dma_wait3A_43] : memref<250x40xi32, #tpu.memory_space<vmem>> -> memref<1x40xi32, #tpu.memory_space<vmem>>
    %dma_wait3A_45 = tpu.memref_squeeze %dma_wait3A_44 : memref<1x40xi32, #tpu.memory_space<vmem>> -> memref<40xi32, #tpu.memory_space<vmem>>
    %dma_wait3A_46 = arith.constant 0 : i32
    %dma_wait3A_47 = arith.constant 0 : i32
    %dma_wait3A_48 = tpu.memref_slice %arg13[%dma_wait3A_46, %dma_wait3A_47] : memref<10112x128xf32, #tpu.memory_space<vmem_shared>> -> memref<10112x128xf32, #tpu.memory_space<vmem_shared>>
    tpu.wait_indirect_dma semaphore(%arg20 : memref<!tpu.dma_semaphore, #tpu.memory_space<semaphore_mem>>) src(%arg9 : memref<40x128xf32, #tpu.memory_space<vmem>>) dst(%dma_wait3A_48 : memref<10112x128xf32, #tpu.memory_space<vmem_shared>>)
    %dma_wait3A_49 = arith.constant 0 : i32
    %dma_wait3A_50 = arith.constant 0 : i32
    %dma_wait3A_51 = tpu.memref_slice %arg7[%dma_wait3A_49, %dma_wait3A_50] : memref<250x40xi32, #tpu.memory_space<vmem>> -> memref<1x40xi32, #tpu.memory_space<vmem>>
    %dma_wait3A_52 = tpu.memref_squeeze %dma_wait3A_51 : memref<1x40xi32, #tpu.memory_space<vmem>> -> memref<40xi32, #tpu.memory_space<vmem>>
    %dma_wait3A_53 = arith.constant 0 : i32
    %dma_wait3A_54 = arith.constant 0 : i32
    %dma_wait3A_55 = tpu.memref_slice %arg13[%dma_wait3A_53, %dma_wait3A_54] : memref<10112x128xf32, #tpu.memory_space<vmem_shared>> -> memref<10112x128xf32, #tpu.memory_space<vmem_shared>>
    tpu.wait_indirect_dma semaphore(%arg21 : memref<!tpu.dma_semaphore, #tpu.memory_space<semaphore_mem>>) src(%arg10 : memref<40x128xf32, #tpu.memory_space<vmem>>) dst(%dma_wait3A_55 : memref<10112x128xf32, #tpu.memory_space<vmem_shared>>)
    %dma_wait3A_56 = arith.constant 0 : i32
    %dma_wait3A_57 = arith.constant 0 : i32
    %dma_wait3A_58 = tpu.memref_slice %arg7[%dma_wait3A_56, %dma_wait3A_57] : memref<250x40xi32, #tpu.memory_space<vmem>> -> memref<1x40xi32, #tpu.memory_space<vmem>>
    %dma_wait3A_59 = tpu.memref_squeeze %dma_wait3A_58 : memref<1x40xi32, #tpu.memory_space<vmem>> -> memref<40xi32, #tpu.memory_space<vmem>>
    %dma_wait3A_60 = arith.constant 0 : i32
    %dma_wait3A_61 = arith.constant 0 : i32
    %dma_wait3A_62 = tpu.memref_slice %arg13[%dma_wait3A_60, %dma_wait3A_61] : memref<10112x128xf32, #tpu.memory_space<vmem_shared>> -> memref<10112x128xf32, #tpu.memory_space<vmem_shared>>
    tpu.wait_indirect_dma semaphore(%arg22 : memref<!tpu.dma_semaphore, #tpu.memory_space<semaphore_mem>>) src(%arg11 : memref<40x128xf32, #tpu.memory_space<vmem>>) dst(%dma_wait3A_62 : memref<10112x128xf32, #tpu.memory_space<vmem_shared>>)
    %dma_wait3A_63 = arith.constant 0 : i32
    %dma_wait3A_64 = arith.constant 0 : i32
    %dma_wait3A_65 = tpu.memref_slice %arg7[%dma_wait3A_63, %dma_wait3A_64] : memref<250x40xi32, #tpu.memory_space<vmem>> -> memref<1x40xi32, #tpu.memory_space<vmem>>
    %dma_wait3A_66 = tpu.memref_squeeze %dma_wait3A_65 : memref<1x40xi32, #tpu.memory_space<vmem>> -> memref<40xi32, #tpu.memory_space<vmem>>
    %dma_wait3A_67 = arith.constant 0 : i32
    %dma_wait3A_68 = arith.constant 0 : i32
    %dma_wait3A_69 = tpu.memref_slice %arg13[%dma_wait3A_67, %dma_wait3A_68] : memref<10112x128xf32, #tpu.memory_space<vmem_shared>> -> memref<10112x128xf32, #tpu.memory_space<vmem_shared>>
    tpu.wait_indirect_dma semaphore(%arg23 : memref<!tpu.dma_semaphore, #tpu.memory_space<semaphore_mem>>) src(%arg12 : memref<40x128xf32, #tpu.memory_space<vmem>>) dst(%dma_wait3A_69 : memref<10112x128xf32, #tpu.memory_space<vmem_shared>>)
    %barrier3A_70 = arith.constant 0 : index
    tpu.barrier barrier_id(%barrier3A_70)
    "tpu.region"() ({
      %run_scoped3A_71 = tpu.sem_alloc : memref<!tpu.dma_semaphore, #tpu.memory_space<semaphore_mem>>
      %dma_start3A_72 = arith.constant 0 : i32
      %dma_start3A_73 = tpu.memref_slice %arg5[%arg0, %mul3A_2, %dma_start3A_72] : memref<2x10112x128xf32, #tpu.memory_space<hbm>> -> memref<1x632x128xf32, #tpu.memory_space<hbm>>
      %dma_start3A_74 = tpu.memref_squeeze %dma_start3A_73 : memref<1x632x128xf32, #tpu.memory_space<hbm>> -> memref<632x128xf32, #tpu.memory_space<hbm>>
      %dma_start3A_75 = arith.constant 0 : i32
      %dma_start3A_76 = tpu.memref_slice %arg13[%mul3A_2, %dma_start3A_75] : memref<10112x128xf32, #tpu.memory_space<vmem_shared>> -> memref<632x128xf32, #tpu.memory_space<vmem_shared>>
      tpu.enqueue_dma source(%dma_start3A_76 : memref<632x128xf32, #tpu.memory_space<vmem_shared>>) target(%dma_start3A_74 : memref<632x128xf32, #tpu.memory_space<hbm>>) target_semaphore(%run_scoped3A_71 : memref<!tpu.dma_semaphore, #tpu.memory_space<semaphore_mem>>)
      %dma_wait3A_77 = arith.constant 0 : i32
      %dma_wait3A_78 = tpu.memref_slice %arg5[%arg0, %mul3A_2, %dma_wait3A_77] : memref<2x10112x128xf32, #tpu.memory_space<hbm>> -> memref<1x632x128xf32, #tpu.memory_space<hbm>>
      %dma_wait3A_79 = tpu.memref_squeeze %dma_wait3A_78 : memref<1x632x128xf32, #tpu.memory_space<hbm>> -> memref<632x128xf32, #tpu.memory_space<hbm>>
      %dma_wait3A_80 = arith.constant 0 : i32
      %dma_wait3A_81 = tpu.memref_slice %arg13[%mul3A_2, %dma_wait3A_80] : memref<10112x128xf32, #tpu.memory_space<vmem_shared>> -> memref<632x128xf32, #tpu.memory_space<vmem_shared>>
      tpu.wait_dma2 semaphore(%run_scoped3A_71 : memref<!tpu.dma_semaphore, #tpu.memory_space<semaphore_mem>>) src(%dma_wait3A_81 : memref<632x128xf32, #tpu.memory_space<vmem_shared>>) dst(%dma_wait3A_79 : memref<632x128xf32, #tpu.memory_space<hbm>>)
      tpu.yield
    }) : () -> ()
    return
  }
}

#map = affine_map<(d0, d1) -> (0, 0)>
#map1 = affine_map<(d0, d1) -> (0, 0, 0, 0)>
#map2 = affine_map<(d0, d1) -> (0, 0, 0)>
module attributes {stable_mosaic.version = 14 : i64} {
  func.func @sc_agg(%arg0: i32, %arg1: i32, %arg2: memref<10000x64xf32, #tpu.memory_space<hbm>>, %arg3: memref<2x32x125x80xi32, #tpu.memory_space<hbm>>, %arg4: memref<632x64xf32, #tpu.memory_space<hbm>>, %arg5: memref<2x10112x64xf32, #tpu.memory_space<hbm>>, %arg6: memref<125x80xi32, #tpu.memory_space<vmem>>, %arg7: memref<125x80xi32, #tpu.memory_space<vmem>>, %arg8: memref<80x64xf32, #tpu.memory_space<vmem>>, %arg9: memref<80x64xf32, #tpu.memory_space<vmem>>, %arg10: memref<80x64xf32, #tpu.memory_space<vmem>>, %arg11: memref<80x64xf32, #tpu.memory_space<vmem>>, %arg12: memref<80x64xf32, #tpu.memory_space<vmem>>, %arg13: memref<10112x64xf32, #tpu.memory_space<vmem_shared>>, %arg14: memref<!tpu.dma_semaphore, #tpu.memory_space<semaphore_mem>>, %arg15: memref<!tpu.dma_semaphore, #tpu.memory_space<semaphore_mem>>, %arg16: memref<!tpu.dma_semaphore, #tpu.memory_space<semaphore_mem>>, %arg17: memref<!tpu.dma_semaphore, #tpu.memory_space<semaphore_mem>>, %arg18: memref<!tpu.dma_semaphore, #tpu.memory_space<semaphore_mem>>, %arg19: memref<!tpu.dma_semaphore, #tpu.memory_space<semaphore_mem>>, %arg20: memref<!tpu.dma_semaphore, #tpu.memory_space<semaphore_mem>>, %arg21: memref<!tpu.dma_semaphore, #tpu.memory_space<semaphore_mem>>, %arg22: memref<!tpu.dma_semaphore, #tpu.memory_space<semaphore_mem>>, %arg23: memref<!tpu.dma_semaphore, #tpu.memory_space<semaphore_mem>>) attributes {dimension_semantics = [#tpu.dimension_semantics<core_parallel>, #tpu.dimension_semantics<subcore_parallel>], iteration_bounds = array<i64: 2, 16>, scalar_prefetch = 0 : i64, scratch_operands = 18 : i64, tpu.core_type = #tpu.core_type<sc_vector_subcore>, window_params = [{transform_indices = #map}, {transform_indices = #map1}, {transform_indices = #map}, {transform_indices = #map2}]} {
    %mul3A = arith.constant 2 : i32
    %mul3A_0 = arith.muli %arg1, %mul3A : i32
    %add3A = arith.addi %mul3A_0, %arg0 : i32
    %mul3A_1 = arith.constant 632 : i32
    %mul3A_2 = arith.muli %arg1, %mul3A_1 : i32
    %run_scoped3A = arith.constant 0 : i32
    "tpu.region"() ({
      %run_scoped3A_71 = tpu.sem_alloc : memref<!tpu.dma_semaphore, #tpu.memory_space<semaphore_mem>>
      %dma_start3A_72 = arith.constant 0 : i32
      %dma_start3A_73 = arith.constant 0 : i32
      %dma_start3A_74 = tpu.memref_slice %arg3[%run_scoped3A, %add3A, %dma_start3A_72, %dma_start3A_73] : memref<2x32x125x80xi32, #tpu.memory_space<hbm>> -> memref<1x1x125x80xi32, #tpu.memory_space<hbm>>
      %dma_start3A_75 = tpu.memref_squeeze %dma_start3A_74 : memref<1x1x125x80xi32, #tpu.memory_space<hbm>> -> memref<125x80xi32, #tpu.memory_space<hbm>>
      %dma_start3A_76 = arith.constant 0 : i32
      %dma_start3A_77 = arith.constant 0 : i32
      %dma_start3A_78 = tpu.memref_slice %arg3[%run_scoped3A, %add3A, %dma_start3A_76, %dma_start3A_77] : memref<2x32x125x80xi32, #tpu.memory_space<hbm>> -> memref<1x1x125x80xi32, #tpu.memory_space<hbm>>
      %dma_start3A_79 = tpu.memref_squeeze %dma_start3A_78 : memref<1x1x125x80xi32, #tpu.memory_space<hbm>> -> memref<125x80xi32, #tpu.memory_space<hbm>>
      tpu.enqueue_dma source(%dma_start3A_79 : memref<125x80xi32, #tpu.memory_space<hbm>>) target(%arg6 : memref<125x80xi32, #tpu.memory_space<vmem>>) target_semaphore(%run_scoped3A_71 : memref<!tpu.dma_semaphore, #tpu.memory_space<semaphore_mem>>)
      %dma_wait3A_80 = arith.constant 0 : i32
      %dma_wait3A_81 = arith.constant 0 : i32
      %dma_wait3A_82 = tpu.memref_slice %arg3[%run_scoped3A, %add3A, %dma_wait3A_80, %dma_wait3A_81] : memref<2x32x125x80xi32, #tpu.memory_space<hbm>> -> memref<1x1x125x80xi32, #tpu.memory_space<hbm>>
      %dma_wait3A_83 = tpu.memref_squeeze %dma_wait3A_82 : memref<1x1x125x80xi32, #tpu.memory_space<hbm>> -> memref<125x80xi32, #tpu.memory_space<hbm>>
      %dma_wait3A_84 = arith.constant 0 : i32
      %dma_wait3A_85 = arith.constant 0 : i32
      %dma_wait3A_86 = tpu.memref_slice %arg3[%run_scoped3A, %add3A, %dma_wait3A_84, %dma_wait3A_85] : memref<2x32x125x80xi32, #tpu.memory_space<hbm>> -> memref<1x1x125x80xi32, #tpu.memory_space<hbm>>
      %dma_wait3A_87 = tpu.memref_squeeze %dma_wait3A_86 : memref<1x1x125x80xi32, #tpu.memory_space<hbm>> -> memref<125x80xi32, #tpu.memory_space<hbm>>
      tpu.wait_dma2 semaphore(%run_scoped3A_71 : memref<!tpu.dma_semaphore, #tpu.memory_space<semaphore_mem>>) src(%dma_wait3A_87 : memref<125x80xi32, #tpu.memory_space<hbm>>) dst(%arg6 : memref<125x80xi32, #tpu.memory_space<vmem>>)
      tpu.yield
    }) : () -> ()
    %run_scoped3A_3 = arith.constant 1 : i32
    "tpu.region"() ({
      %run_scoped3A_71 = tpu.sem_alloc : memref<!tpu.dma_semaphore, #tpu.memory_space<semaphore_mem>>
      %dma_start3A_72 = arith.constant 0 : i32
      %dma_start3A_73 = arith.constant 0 : i32
      %dma_start3A_74 = tpu.memref_slice %arg3[%run_scoped3A_3, %add3A, %dma_start3A_72, %dma_start3A_73] : memref<2x32x125x80xi32, #tpu.memory_space<hbm>> -> memref<1x1x125x80xi32, #tpu.memory_space<hbm>>
      %dma_start3A_75 = tpu.memref_squeeze %dma_start3A_74 : memref<1x1x125x80xi32, #tpu.memory_space<hbm>> -> memref<125x80xi32, #tpu.memory_space<hbm>>
      %dma_start3A_76 = arith.constant 0 : i32
      %dma_start3A_77 = arith.constant 0 : i32
      %dma_start3A_78 = tpu.memref_slice %arg3[%run_scoped3A_3, %add3A, %dma_start3A_76, %dma_start3A_77] : memref<2x32x125x80xi32, #tpu.memory_space<hbm>> -> memref<1x1x125x80xi32, #tpu.memory_space<hbm>>
      %dma_start3A_79 = tpu.memref_squeeze %dma_start3A_78 : memref<1x1x125x80xi32, #tpu.memory_space<hbm>> -> memref<125x80xi32, #tpu.memory_space<hbm>>
      tpu.enqueue_dma source(%dma_start3A_79 : memref<125x80xi32, #tpu.memory_space<hbm>>) target(%arg7 : memref<125x80xi32, #tpu.memory_space<vmem>>) target_semaphore(%run_scoped3A_71 : memref<!tpu.dma_semaphore, #tpu.memory_space<semaphore_mem>>)
      %dma_wait3A_80 = arith.constant 0 : i32
      %dma_wait3A_81 = arith.constant 0 : i32
      %dma_wait3A_82 = tpu.memref_slice %arg3[%run_scoped3A_3, %add3A, %dma_wait3A_80, %dma_wait3A_81] : memref<2x32x125x80xi32, #tpu.memory_space<hbm>> -> memref<1x1x125x80xi32, #tpu.memory_space<hbm>>
      %dma_wait3A_83 = tpu.memref_squeeze %dma_wait3A_82 : memref<1x1x125x80xi32, #tpu.memory_space<hbm>> -> memref<125x80xi32, #tpu.memory_space<hbm>>
      %dma_wait3A_84 = arith.constant 0 : i32
      %dma_wait3A_85 = arith.constant 0 : i32
      %dma_wait3A_86 = tpu.memref_slice %arg3[%run_scoped3A_3, %add3A, %dma_wait3A_84, %dma_wait3A_85] : memref<2x32x125x80xi32, #tpu.memory_space<hbm>> -> memref<1x1x125x80xi32, #tpu.memory_space<hbm>>
      %dma_wait3A_87 = tpu.memref_squeeze %dma_wait3A_86 : memref<1x1x125x80xi32, #tpu.memory_space<hbm>> -> memref<125x80xi32, #tpu.memory_space<hbm>>
      tpu.wait_dma2 semaphore(%run_scoped3A_71 : memref<!tpu.dma_semaphore, #tpu.memory_space<semaphore_mem>>) src(%dma_wait3A_87 : memref<125x80xi32, #tpu.memory_space<hbm>>) dst(%arg7 : memref<125x80xi32, #tpu.memory_space<vmem>>)
      tpu.yield
    }) : () -> ()
    "tpu.region"() ({
      %run_scoped3A_71 = tpu.sem_alloc : memref<!tpu.dma_semaphore, #tpu.memory_space<semaphore_mem>>
      %dma_start3A_72 = arith.constant 0 : i32
      %dma_start3A_73 = tpu.memref_slice %arg13[%mul3A_2, %dma_start3A_72] : memref<10112x64xf32, #tpu.memory_space<vmem_shared>> -> memref<632x64xf32, #tpu.memory_space<vmem_shared>>
      tpu.enqueue_dma source(%arg4 : memref<632x64xf32, #tpu.memory_space<hbm>>) target(%dma_start3A_73 : memref<632x64xf32, #tpu.memory_space<vmem_shared>>) target_semaphore(%run_scoped3A_71 : memref<!tpu.dma_semaphore, #tpu.memory_space<semaphore_mem>>)
      %dma_wait3A_74 = arith.constant 0 : i32
      %dma_wait3A_75 = tpu.memref_slice %arg13[%mul3A_2, %dma_wait3A_74] : memref<10112x64xf32, #tpu.memory_space<vmem_shared>> -> memref<632x64xf32, #tpu.memory_space<vmem_shared>>
      tpu.wait_dma2 semaphore(%run_scoped3A_71 : memref<!tpu.dma_semaphore, #tpu.memory_space<semaphore_mem>>) src(%arg4 : memref<632x64xf32, #tpu.memory_space<hbm>>) dst(%dma_wait3A_75 : memref<632x64xf32, #tpu.memory_space<vmem_shared>>)
      tpu.yield
    }) : () -> ()
    %barrier3A = arith.constant 0 : index
    tpu.barrier barrier_id(%barrier3A)
    %dma_start3A = arith.constant 0 : i32
    %dma_start3A_4 = arith.constant 0 : i32
    %dma_start3A_5 = tpu.memref_slice %arg6[%dma_start3A, %dma_start3A_4] : memref<125x80xi32, #tpu.memory_space<vmem>> -> memref<1x80xi32, #tpu.memory_space<vmem>>
    %dma_start3A_6 = tpu.memref_squeeze %dma_start3A_5 : memref<1x80xi32, #tpu.memory_space<vmem>> -> memref<80xi32, #tpu.memory_space<vmem>>
    %dma_start3A_7 = arith.constant 0 : i32
    %dma_start3A_8 = arith.constant 0 : i32
    %dma_start3A_9 = tpu.memref_slice %arg2[%dma_start3A_7, %dma_start3A_8] : memref<10000x64xf32, #tpu.memory_space<hbm>> -> memref<10000x64xf32, #tpu.memory_space<hbm>>
    tpu.enqueue_indirect_dma source(%dma_start3A_9 : memref<10000x64xf32, #tpu.memory_space<hbm>>) target(%arg8 : memref<80x64xf32, #tpu.memory_space<vmem>>) offsets(%dma_start3A_6 : memref<80xi32, #tpu.memory_space<vmem>>) semaphore(%arg14 : memref<!tpu.dma_semaphore, #tpu.memory_space<semaphore_mem>>)
    %dma_start3A_10 = arith.constant 1 : i32
    %dma_start3A_11 = arith.constant 0 : i32
    %dma_start3A_12 = tpu.memref_slice %arg6[%dma_start3A_10, %dma_start3A_11] : memref<125x80xi32, #tpu.memory_space<vmem>> -> memref<1x80xi32, #tpu.memory_space<vmem>>
    %dma_start3A_13 = tpu.memref_squeeze %dma_start3A_12 : memref<1x80xi32, #tpu.memory_space<vmem>> -> memref<80xi32, #tpu.memory_space<vmem>>
    %dma_start3A_14 = arith.constant 0 : i32
    %dma_start3A_15 = arith.constant 0 : i32
    %dma_start3A_16 = tpu.memref_slice %arg2[%dma_start3A_14, %dma_start3A_15] : memref<10000x64xf32, #tpu.memory_space<hbm>> -> memref<10000x64xf32, #tpu.memory_space<hbm>>
    tpu.enqueue_indirect_dma source(%dma_start3A_16 : memref<10000x64xf32, #tpu.memory_space<hbm>>) target(%arg9 : memref<80x64xf32, #tpu.memory_space<vmem>>) offsets(%dma_start3A_13 : memref<80xi32, #tpu.memory_space<vmem>>) semaphore(%arg15 : memref<!tpu.dma_semaphore, #tpu.memory_space<semaphore_mem>>)
    %dma_start3A_17 = arith.constant 2 : i32
    %dma_start3A_18 = arith.constant 0 : i32
    %dma_start3A_19 = tpu.memref_slice %arg6[%dma_start3A_17, %dma_start3A_18] : memref<125x80xi32, #tpu.memory_space<vmem>> -> memref<1x80xi32, #tpu.memory_space<vmem>>
    %dma_start3A_20 = tpu.memref_squeeze %dma_start3A_19 : memref<1x80xi32, #tpu.memory_space<vmem>> -> memref<80xi32, #tpu.memory_space<vmem>>
    %dma_start3A_21 = arith.constant 0 : i32
    %dma_start3A_22 = arith.constant 0 : i32
    %dma_start3A_23 = tpu.memref_slice %arg2[%dma_start3A_21, %dma_start3A_22] : memref<10000x64xf32, #tpu.memory_space<hbm>> -> memref<10000x64xf32, #tpu.memory_space<hbm>>
    tpu.enqueue_indirect_dma source(%dma_start3A_23 : memref<10000x64xf32, #tpu.memory_space<hbm>>) target(%arg10 : memref<80x64xf32, #tpu.memory_space<vmem>>) offsets(%dma_start3A_20 : memref<80xi32, #tpu.memory_space<vmem>>) semaphore(%arg16 : memref<!tpu.dma_semaphore, #tpu.memory_space<semaphore_mem>>)
    %dma_start3A_24 = arith.constant 3 : i32
    %dma_start3A_25 = arith.constant 0 : i32
    %dma_start3A_26 = tpu.memref_slice %arg6[%dma_start3A_24, %dma_start3A_25] : memref<125x80xi32, #tpu.memory_space<vmem>> -> memref<1x80xi32, #tpu.memory_space<vmem>>
    %dma_start3A_27 = tpu.memref_squeeze %dma_start3A_26 : memref<1x80xi32, #tpu.memory_space<vmem>> -> memref<80xi32, #tpu.memory_space<vmem>>
    %dma_start3A_28 = arith.constant 0 : i32
    %dma_start3A_29 = arith.constant 0 : i32
    %dma_start3A_30 = tpu.memref_slice %arg2[%dma_start3A_28, %dma_start3A_29] : memref<10000x64xf32, #tpu.memory_space<hbm>> -> memref<10000x64xf32, #tpu.memory_space<hbm>>
    tpu.enqueue_indirect_dma source(%dma_start3A_30 : memref<10000x64xf32, #tpu.memory_space<hbm>>) target(%arg11 : memref<80x64xf32, #tpu.memory_space<vmem>>) offsets(%dma_start3A_27 : memref<80xi32, #tpu.memory_space<vmem>>) semaphore(%arg17 : memref<!tpu.dma_semaphore, #tpu.memory_space<semaphore_mem>>)
    %scan3A = arith.constant 0 : i32
    %scan3A_31 = arith.constant 0 : i32
    %scan3A_32 = arith.constant 25 : i32
    %scan3A_33 = arith.addi %scan3A_31, %scan3A_32 : i32
    %scan3A_34 = arith.constant 1 : i32
    scf.for %scan3A_71 = %scan3A_31 to %scan3A_33 step %scan3A_34  : i32 {
      %mul3A_72 = arith.constant 5 : i32
      %mul3A_73 = arith.muli %scan3A_71, %mul3A_72 : i32
      %add3A_74 = arith.constant 0 : i32
      %add3A_75 = arith.addi %mul3A_73, %add3A_74 : i32
      %add3A_76 = arith.constant 5 : i32
      %add3A_77 = arith.addi %add3A_75, %add3A_76 : i32
      %sub3A = arith.constant 1 : i32
      %sub3A_78 = arith.subi %add3A_77, %sub3A : i32
      %lt3A = arith.constant 125 : i32
      %lt3A_79 = arith.cmpi slt, %sub3A_78, %lt3A : i32
      %convert_element_type3A = arith.extui %lt3A_79 : i1 to i32
      %cond3A = arith.constant 0 : i32
      %cond3A_80 = arith.cmpi ne, %convert_element_type3A, %cond3A : i32
      scf.if %cond3A_80 {
        %ge3A = arith.constant 1 : i32
        %ge3A_193 = arith.cmpi sge, %add3A_75, %ge3A : i32
        %convert_element_type3A_194 = arith.extui %ge3A_193 : i1 to i32
        %cond3A_195 = arith.constant 0 : i32
        %cond3A_196 = arith.cmpi ne, %convert_element_type3A_194, %cond3A_195 : i32
        scf.if %cond3A_196 {
          %dma_wait3A_203 = arith.constant 0 : i32
          %dma_wait3A_204 = arith.constant 0 : i32
          %dma_wait3A_205 = tpu.memref_slice %arg7[%dma_wait3A_203, %dma_wait3A_204] : memref<125x80xi32, #tpu.memory_space<vmem>> -> memref<1x80xi32, #tpu.memory_space<vmem>>
          %dma_wait3A_206 = tpu.memref_squeeze %dma_wait3A_205 : memref<1x80xi32, #tpu.memory_space<vmem>> -> memref<80xi32, #tpu.memory_space<vmem>>
          %dma_wait3A_207 = arith.constant 0 : i32
          %dma_wait3A_208 = arith.constant 0 : i32
          %dma_wait3A_209 = tpu.memref_slice %arg13[%dma_wait3A_207, %dma_wait3A_208] : memref<10112x64xf32, #tpu.memory_space<vmem_shared>> -> memref<10112x64xf32, #tpu.memory_space<vmem_shared>>
          tpu.wait_indirect_dma semaphore(%arg23 : memref<!tpu.dma_semaphore, #tpu.memory_space<semaphore_mem>>) src(%arg12 : memref<80x64xf32, #tpu.memory_space<vmem>>) dst(%dma_wait3A_209 : memref<10112x64xf32, #tpu.memory_space<vmem_shared>>)
        } else {
        }
        %dma_start3A_197 = arith.constant 0 : i32
        %dma_start3A_198 = tpu.memref_slice %arg6[%sub3A_78, %dma_start3A_197] : memref<125x80xi32, #tpu.memory_space<vmem>> -> memref<1x80xi32, #tpu.memory_space<vmem>>
        %dma_start3A_199 = tpu.memref_squeeze %dma_start3A_198 : memref<1x80xi32, #tpu.memory_space<vmem>> -> memref<80xi32, #tpu.memory_space<vmem>>
        %dma_start3A_200 = arith.constant 0 : i32
        %dma_start3A_201 = arith.constant 0 : i32
        %dma_start3A_202 = tpu.memref_slice %arg2[%dma_start3A_200, %dma_start3A_201] : memref<10000x64xf32, #tpu.memory_space<hbm>> -> memref<10000x64xf32, #tpu.memory_space<hbm>>
        tpu.enqueue_indirect_dma source(%dma_start3A_202 : memref<10000x64xf32, #tpu.memory_space<hbm>>) target(%arg12 : memref<80x64xf32, #tpu.memory_space<vmem>>) offsets(%dma_start3A_199 : memref<80xi32, #tpu.memory_space<vmem>>) semaphore(%arg18 : memref<!tpu.dma_semaphore, #tpu.memory_space<semaphore_mem>>)
      } else {
      }
      %dma_wait3A_81 = arith.constant 0 : i32
      %dma_wait3A_82 = arith.constant 0 : i32
      %dma_wait3A_83 = tpu.memref_slice %arg2[%dma_wait3A_81, %dma_wait3A_82] : memref<10000x64xf32, #tpu.memory_space<hbm>> -> memref<80x64xf32, #tpu.memory_space<hbm>>
      %dma_wait3A_84 = arith.constant 0 : i32
      %dma_wait3A_85 = arith.constant 0 : i32
      %dma_wait3A_86 = tpu.memref_slice %arg2[%dma_wait3A_84, %dma_wait3A_85] : memref<10000x64xf32, #tpu.memory_space<hbm>> -> memref<80x64xf32, #tpu.memory_space<hbm>>
      tpu.wait_dma2 semaphore(%arg14 : memref<!tpu.dma_semaphore, #tpu.memory_space<semaphore_mem>>) src(%dma_wait3A_86 : memref<80x64xf32, #tpu.memory_space<hbm>>) dst(%arg8 : memref<80x64xf32, #tpu.memory_space<vmem>>)
      %dma_start3A_87 = arith.constant 0 : i32
      %dma_start3A_88 = tpu.memref_slice %arg7[%add3A_75, %dma_start3A_87] : memref<125x80xi32, #tpu.memory_space<vmem>> -> memref<1x80xi32, #tpu.memory_space<vmem>>
      %dma_start3A_89 = tpu.memref_squeeze %dma_start3A_88 : memref<1x80xi32, #tpu.memory_space<vmem>> -> memref<80xi32, #tpu.memory_space<vmem>>
      %dma_start3A_90 = arith.constant 0 : i32
      %dma_start3A_91 = arith.constant 0 : i32
      %dma_start3A_92 = tpu.memref_slice %arg13[%dma_start3A_90, %dma_start3A_91] : memref<10112x64xf32, #tpu.memory_space<vmem_shared>> -> memref<10112x64xf32, #tpu.memory_space<vmem_shared>>
      tpu.enqueue_indirect_dma source(%arg8 : memref<80x64xf32, #tpu.memory_space<vmem>>) target(%dma_start3A_92 : memref<10112x64xf32, #tpu.memory_space<vmem_shared>>) offsets(%dma_start3A_89 : memref<80xi32, #tpu.memory_space<vmem>>) semaphore(%arg19 : memref<!tpu.dma_semaphore, #tpu.memory_space<semaphore_mem>>) {add = true}
      %mul3A_93 = arith.constant 5 : i32
      %mul3A_94 = arith.muli %scan3A_71, %mul3A_93 : i32
      %add3A_95 = arith.constant 1 : i32
      %add3A_96 = arith.addi %mul3A_94, %add3A_95 : i32
      %add3A_97 = arith.constant 5 : i32
      %add3A_98 = arith.addi %add3A_96, %add3A_97 : i32
      %sub3A_99 = arith.constant 1 : i32
      %sub3A_100 = arith.subi %add3A_98, %sub3A_99 : i32
      %lt3A_101 = arith.constant 125 : i32
      %lt3A_102 = arith.cmpi slt, %sub3A_100, %lt3A_101 : i32
      %convert_element_type3A_103 = arith.extui %lt3A_102 : i1 to i32
      %cond3A_104 = arith.constant 0 : i32
      %cond3A_105 = arith.cmpi ne, %convert_element_type3A_103, %cond3A_104 : i32
      scf.if %cond3A_105 {
        %ge3A = arith.constant 1 : i32
        %ge3A_193 = arith.cmpi sge, %add3A_96, %ge3A : i32
        %convert_element_type3A_194 = arith.extui %ge3A_193 : i1 to i32
        %cond3A_195 = arith.constant 0 : i32
        %cond3A_196 = arith.cmpi ne, %convert_element_type3A_194, %cond3A_195 : i32
        scf.if %cond3A_196 {
          %dma_wait3A_203 = arith.constant 0 : i32
          %dma_wait3A_204 = arith.constant 0 : i32
          %dma_wait3A_205 = tpu.memref_slice %arg7[%dma_wait3A_203, %dma_wait3A_204] : memref<125x80xi32, #tpu.memory_space<vmem>> -> memref<1x80xi32, #tpu.memory_space<vmem>>
          %dma_wait3A_206 = tpu.memref_squeeze %dma_wait3A_205 : memref<1x80xi32, #tpu.memory_space<vmem>> -> memref<80xi32, #tpu.memory_space<vmem>>
          %dma_wait3A_207 = arith.constant 0 : i32
          %dma_wait3A_208 = arith.constant 0 : i32
          %dma_wait3A_209 = tpu.memref_slice %arg13[%dma_wait3A_207, %dma_wait3A_208] : memref<10112x64xf32, #tpu.memory_space<vmem_shared>> -> memref<10112x64xf32, #tpu.memory_space<vmem_shared>>
          tpu.wait_indirect_dma semaphore(%arg19 : memref<!tpu.dma_semaphore, #tpu.memory_space<semaphore_mem>>) src(%arg8 : memref<80x64xf32, #tpu.memory_space<vmem>>) dst(%dma_wait3A_209 : memref<10112x64xf32, #tpu.memory_space<vmem_shared>>)
        } else {
        }
        %dma_start3A_197 = arith.constant 0 : i32
        %dma_start3A_198 = tpu.memref_slice %arg6[%sub3A_100, %dma_start3A_197] : memref<125x80xi32, #tpu.memory_space<vmem>> -> memref<1x80xi32, #tpu.memory_space<vmem>>
        %dma_start3A_199 = tpu.memref_squeeze %dma_start3A_198 : memref<1x80xi32, #tpu.memory_space<vmem>> -> memref<80xi32, #tpu.memory_space<vmem>>
        %dma_start3A_200 = arith.constant 0 : i32
        %dma_start3A_201 = arith.constant 0 : i32
        %dma_start3A_202 = tpu.memref_slice %arg2[%dma_start3A_200, %dma_start3A_201] : memref<10000x64xf32, #tpu.memory_space<hbm>> -> memref<10000x64xf32, #tpu.memory_space<hbm>>
        tpu.enqueue_indirect_dma source(%dma_start3A_202 : memref<10000x64xf32, #tpu.memory_space<hbm>>) target(%arg8 : memref<80x64xf32, #tpu.memory_space<vmem>>) offsets(%dma_start3A_199 : memref<80xi32, #tpu.memory_space<vmem>>) semaphore(%arg14 : memref<!tpu.dma_semaphore, #tpu.memory_space<semaphore_mem>>)
      } else {
      }
      %dma_wait3A_106 = arith.constant 0 : i32
      %dma_wait3A_107 = arith.constant 0 : i32
      %dma_wait3A_108 = tpu.memref_slice %arg2[%dma_wait3A_106, %dma_wait3A_107] : memref<10000x64xf32, #tpu.memory_space<hbm>> -> memref<80x64xf32, #tpu.memory_space<hbm>>
      %dma_wait3A_109 = arith.constant 0 : i32
      %dma_wait3A_110 = arith.constant 0 : i32
      %dma_wait3A_111 = tpu.memref_slice %arg2[%dma_wait3A_109, %dma_wait3A_110] : memref<10000x64xf32, #tpu.memory_space<hbm>> -> memref<80x64xf32, #tpu.memory_space<hbm>>
      tpu.wait_dma2 semaphore(%arg15 : memref<!tpu.dma_semaphore, #tpu.memory_space<semaphore_mem>>) src(%dma_wait3A_111 : memref<80x64xf32, #tpu.memory_space<hbm>>) dst(%arg9 : memref<80x64xf32, #tpu.memory_space<vmem>>)
      %dma_start3A_112 = arith.constant 0 : i32
      %dma_start3A_113 = tpu.memref_slice %arg7[%add3A_96, %dma_start3A_112] : memref<125x80xi32, #tpu.memory_space<vmem>> -> memref<1x80xi32, #tpu.memory_space<vmem>>
      %dma_start3A_114 = tpu.memref_squeeze %dma_start3A_113 : memref<1x80xi32, #tpu.memory_space<vmem>> -> memref<80xi32, #tpu.memory_space<vmem>>
      %dma_start3A_115 = arith.constant 0 : i32
      %dma_start3A_116 = arith.constant 0 : i32
      %dma_start3A_117 = tpu.memref_slice %arg13[%dma_start3A_115, %dma_start3A_116] : memref<10112x64xf32, #tpu.memory_space<vmem_shared>> -> memref<10112x64xf32, #tpu.memory_space<vmem_shared>>
      tpu.enqueue_indirect_dma source(%arg9 : memref<80x64xf32, #tpu.memory_space<vmem>>) target(%dma_start3A_117 : memref<10112x64xf32, #tpu.memory_space<vmem_shared>>) offsets(%dma_start3A_114 : memref<80xi32, #tpu.memory_space<vmem>>) semaphore(%arg20 : memref<!tpu.dma_semaphore, #tpu.memory_space<semaphore_mem>>) {add = true}
      %mul3A_118 = arith.constant 5 : i32
      %mul3A_119 = arith.muli %scan3A_71, %mul3A_118 : i32
      %add3A_120 = arith.constant 2 : i32
      %add3A_121 = arith.addi %mul3A_119, %add3A_120 : i32
      %add3A_122 = arith.constant 5 : i32
      %add3A_123 = arith.addi %add3A_121, %add3A_122 : i32
      %sub3A_124 = arith.constant 1 : i32
      %sub3A_125 = arith.subi %add3A_123, %sub3A_124 : i32
      %lt3A_126 = arith.constant 125 : i32
      %lt3A_127 = arith.cmpi slt, %sub3A_125, %lt3A_126 : i32
      %convert_element_type3A_128 = arith.extui %lt3A_127 : i1 to i32
      %cond3A_129 = arith.constant 0 : i32
      %cond3A_130 = arith.cmpi ne, %convert_element_type3A_128, %cond3A_129 : i32
      scf.if %cond3A_130 {
        %ge3A = arith.constant 1 : i32
        %ge3A_193 = arith.cmpi sge, %add3A_121, %ge3A : i32
        %convert_element_type3A_194 = arith.extui %ge3A_193 : i1 to i32
        %cond3A_195 = arith.constant 0 : i32
        %cond3A_196 = arith.cmpi ne, %convert_element_type3A_194, %cond3A_195 : i32
        scf.if %cond3A_196 {
          %dma_wait3A_203 = arith.constant 0 : i32
          %dma_wait3A_204 = arith.constant 0 : i32
          %dma_wait3A_205 = tpu.memref_slice %arg7[%dma_wait3A_203, %dma_wait3A_204] : memref<125x80xi32, #tpu.memory_space<vmem>> -> memref<1x80xi32, #tpu.memory_space<vmem>>
          %dma_wait3A_206 = tpu.memref_squeeze %dma_wait3A_205 : memref<1x80xi32, #tpu.memory_space<vmem>> -> memref<80xi32, #tpu.memory_space<vmem>>
          %dma_wait3A_207 = arith.constant 0 : i32
          %dma_wait3A_208 = arith.constant 0 : i32
          %dma_wait3A_209 = tpu.memref_slice %arg13[%dma_wait3A_207, %dma_wait3A_208] : memref<10112x64xf32, #tpu.memory_space<vmem_shared>> -> memref<10112x64xf32, #tpu.memory_space<vmem_shared>>
          tpu.wait_indirect_dma semaphore(%arg20 : memref<!tpu.dma_semaphore, #tpu.memory_space<semaphore_mem>>) src(%arg9 : memref<80x64xf32, #tpu.memory_space<vmem>>) dst(%dma_wait3A_209 : memref<10112x64xf32, #tpu.memory_space<vmem_shared>>)
        } else {
        }
        %dma_start3A_197 = arith.constant 0 : i32
        %dma_start3A_198 = tpu.memref_slice %arg6[%sub3A_125, %dma_start3A_197] : memref<125x80xi32, #tpu.memory_space<vmem>> -> memref<1x80xi32, #tpu.memory_space<vmem>>
        %dma_start3A_199 = tpu.memref_squeeze %dma_start3A_198 : memref<1x80xi32, #tpu.memory_space<vmem>> -> memref<80xi32, #tpu.memory_space<vmem>>
        %dma_start3A_200 = arith.constant 0 : i32
        %dma_start3A_201 = arith.constant 0 : i32
        %dma_start3A_202 = tpu.memref_slice %arg2[%dma_start3A_200, %dma_start3A_201] : memref<10000x64xf32, #tpu.memory_space<hbm>> -> memref<10000x64xf32, #tpu.memory_space<hbm>>
        tpu.enqueue_indirect_dma source(%dma_start3A_202 : memref<10000x64xf32, #tpu.memory_space<hbm>>) target(%arg9 : memref<80x64xf32, #tpu.memory_space<vmem>>) offsets(%dma_start3A_199 : memref<80xi32, #tpu.memory_space<vmem>>) semaphore(%arg15 : memref<!tpu.dma_semaphore, #tpu.memory_space<semaphore_mem>>)
      } else {
      }
      %dma_wait3A_131 = arith.constant 0 : i32
      %dma_wait3A_132 = arith.constant 0 : i32
      %dma_wait3A_133 = tpu.memref_slice %arg2[%dma_wait3A_131, %dma_wait3A_132] : memref<10000x64xf32, #tpu.memory_space<hbm>> -> memref<80x64xf32, #tpu.memory_space<hbm>>
      %dma_wait3A_134 = arith.constant 0 : i32
      %dma_wait3A_135 = arith.constant 0 : i32
      %dma_wait3A_136 = tpu.memref_slice %arg2[%dma_wait3A_134, %dma_wait3A_135] : memref<10000x64xf32, #tpu.memory_space<hbm>> -> memref<80x64xf32, #tpu.memory_space<hbm>>
      tpu.wait_dma2 semaphore(%arg16 : memref<!tpu.dma_semaphore, #tpu.memory_space<semaphore_mem>>) src(%dma_wait3A_136 : memref<80x64xf32, #tpu.memory_space<hbm>>) dst(%arg10 : memref<80x64xf32, #tpu.memory_space<vmem>>)
      %dma_start3A_137 = arith.constant 0 : i32
      %dma_start3A_138 = tpu.memref_slice %arg7[%add3A_121, %dma_start3A_137] : memref<125x80xi32, #tpu.memory_space<vmem>> -> memref<1x80xi32, #tpu.memory_space<vmem>>
      %dma_start3A_139 = tpu.memref_squeeze %dma_start3A_138 : memref<1x80xi32, #tpu.memory_space<vmem>> -> memref<80xi32, #tpu.memory_space<vmem>>
      %dma_start3A_140 = arith.constant 0 : i32
      %dma_start3A_141 = arith.constant 0 : i32
      %dma_start3A_142 = tpu.memref_slice %arg13[%dma_start3A_140, %dma_start3A_141] : memref<10112x64xf32, #tpu.memory_space<vmem_shared>> -> memref<10112x64xf32, #tpu.memory_space<vmem_shared>>
      tpu.enqueue_indirect_dma source(%arg10 : memref<80x64xf32, #tpu.memory_space<vmem>>) target(%dma_start3A_142 : memref<10112x64xf32, #tpu.memory_space<vmem_shared>>) offsets(%dma_start3A_139 : memref<80xi32, #tpu.memory_space<vmem>>) semaphore(%arg21 : memref<!tpu.dma_semaphore, #tpu.memory_space<semaphore_mem>>) {add = true}
      %mul3A_143 = arith.constant 5 : i32
      %mul3A_144 = arith.muli %scan3A_71, %mul3A_143 : i32
      %add3A_145 = arith.constant 3 : i32
      %add3A_146 = arith.addi %mul3A_144, %add3A_145 : i32
      %add3A_147 = arith.constant 5 : i32
      %add3A_148 = arith.addi %add3A_146, %add3A_147 : i32
      %sub3A_149 = arith.constant 1 : i32
      %sub3A_150 = arith.subi %add3A_148, %sub3A_149 : i32
      %lt3A_151 = arith.constant 125 : i32
      %lt3A_152 = arith.cmpi slt, %sub3A_150, %lt3A_151 : i32
      %convert_element_type3A_153 = arith.extui %lt3A_152 : i1 to i32
      %cond3A_154 = arith.constant 0 : i32
      %cond3A_155 = arith.cmpi ne, %convert_element_type3A_153, %cond3A_154 : i32
      scf.if %cond3A_155 {
        %ge3A = arith.constant 1 : i32
        %ge3A_193 = arith.cmpi sge, %add3A_146, %ge3A : i32
        %convert_element_type3A_194 = arith.extui %ge3A_193 : i1 to i32
        %cond3A_195 = arith.constant 0 : i32
        %cond3A_196 = arith.cmpi ne, %convert_element_type3A_194, %cond3A_195 : i32
        scf.if %cond3A_196 {
          %dma_wait3A_203 = arith.constant 0 : i32
          %dma_wait3A_204 = arith.constant 0 : i32
          %dma_wait3A_205 = tpu.memref_slice %arg7[%dma_wait3A_203, %dma_wait3A_204] : memref<125x80xi32, #tpu.memory_space<vmem>> -> memref<1x80xi32, #tpu.memory_space<vmem>>
          %dma_wait3A_206 = tpu.memref_squeeze %dma_wait3A_205 : memref<1x80xi32, #tpu.memory_space<vmem>> -> memref<80xi32, #tpu.memory_space<vmem>>
          %dma_wait3A_207 = arith.constant 0 : i32
          %dma_wait3A_208 = arith.constant 0 : i32
          %dma_wait3A_209 = tpu.memref_slice %arg13[%dma_wait3A_207, %dma_wait3A_208] : memref<10112x64xf32, #tpu.memory_space<vmem_shared>> -> memref<10112x64xf32, #tpu.memory_space<vmem_shared>>
          tpu.wait_indirect_dma semaphore(%arg21 : memref<!tpu.dma_semaphore, #tpu.memory_space<semaphore_mem>>) src(%arg10 : memref<80x64xf32, #tpu.memory_space<vmem>>) dst(%dma_wait3A_209 : memref<10112x64xf32, #tpu.memory_space<vmem_shared>>)
        } else {
        }
        %dma_start3A_197 = arith.constant 0 : i32
        %dma_start3A_198 = tpu.memref_slice %arg6[%sub3A_150, %dma_start3A_197] : memref<125x80xi32, #tpu.memory_space<vmem>> -> memref<1x80xi32, #tpu.memory_space<vmem>>
        %dma_start3A_199 = tpu.memref_squeeze %dma_start3A_198 : memref<1x80xi32, #tpu.memory_space<vmem>> -> memref<80xi32, #tpu.memory_space<vmem>>
        %dma_start3A_200 = arith.constant 0 : i32
        %dma_start3A_201 = arith.constant 0 : i32
        %dma_start3A_202 = tpu.memref_slice %arg2[%dma_start3A_200, %dma_start3A_201] : memref<10000x64xf32, #tpu.memory_space<hbm>> -> memref<10000x64xf32, #tpu.memory_space<hbm>>
        tpu.enqueue_indirect_dma source(%dma_start3A_202 : memref<10000x64xf32, #tpu.memory_space<hbm>>) target(%arg10 : memref<80x64xf32, #tpu.memory_space<vmem>>) offsets(%dma_start3A_199 : memref<80xi32, #tpu.memory_space<vmem>>) semaphore(%arg16 : memref<!tpu.dma_semaphore, #tpu.memory_space<semaphore_mem>>)
      } else {
      }
      %dma_wait3A_156 = arith.constant 0 : i32
      %dma_wait3A_157 = arith.constant 0 : i32
      %dma_wait3A_158 = tpu.memref_slice %arg2[%dma_wait3A_156, %dma_wait3A_157] : memref<10000x64xf32, #tpu.memory_space<hbm>> -> memref<80x64xf32, #tpu.memory_space<hbm>>
      %dma_wait3A_159 = arith.constant 0 : i32
      %dma_wait3A_160 = arith.constant 0 : i32
      %dma_wait3A_161 = tpu.memref_slice %arg2[%dma_wait3A_159, %dma_wait3A_160] : memref<10000x64xf32, #tpu.memory_space<hbm>> -> memref<80x64xf32, #tpu.memory_space<hbm>>
      tpu.wait_dma2 semaphore(%arg17 : memref<!tpu.dma_semaphore, #tpu.memory_space<semaphore_mem>>) src(%dma_wait3A_161 : memref<80x64xf32, #tpu.memory_space<hbm>>) dst(%arg11 : memref<80x64xf32, #tpu.memory_space<vmem>>)
      %dma_start3A_162 = arith.constant 0 : i32
      %dma_start3A_163 = tpu.memref_slice %arg7[%add3A_146, %dma_start3A_162] : memref<125x80xi32, #tpu.memory_space<vmem>> -> memref<1x80xi32, #tpu.memory_space<vmem>>
      %dma_start3A_164 = tpu.memref_squeeze %dma_start3A_163 : memref<1x80xi32, #tpu.memory_space<vmem>> -> memref<80xi32, #tpu.memory_space<vmem>>
      %dma_start3A_165 = arith.constant 0 : i32
      %dma_start3A_166 = arith.constant 0 : i32
      %dma_start3A_167 = tpu.memref_slice %arg13[%dma_start3A_165, %dma_start3A_166] : memref<10112x64xf32, #tpu.memory_space<vmem_shared>> -> memref<10112x64xf32, #tpu.memory_space<vmem_shared>>
      tpu.enqueue_indirect_dma source(%arg11 : memref<80x64xf32, #tpu.memory_space<vmem>>) target(%dma_start3A_167 : memref<10112x64xf32, #tpu.memory_space<vmem_shared>>) offsets(%dma_start3A_164 : memref<80xi32, #tpu.memory_space<vmem>>) semaphore(%arg22 : memref<!tpu.dma_semaphore, #tpu.memory_space<semaphore_mem>>) {add = true}
      %mul3A_168 = arith.constant 5 : i32
      %mul3A_169 = arith.muli %scan3A_71, %mul3A_168 : i32
      %add3A_170 = arith.constant 4 : i32
      %add3A_171 = arith.addi %mul3A_169, %add3A_170 : i32
      %add3A_172 = arith.constant 5 : i32
      %add3A_173 = arith.addi %add3A_171, %add3A_172 : i32
      %sub3A_174 = arith.constant 1 : i32
      %sub3A_175 = arith.subi %add3A_173, %sub3A_174 : i32
      %lt3A_176 = arith.constant 125 : i32
      %lt3A_177 = arith.cmpi slt, %sub3A_175, %lt3A_176 : i32
      %convert_element_type3A_178 = arith.extui %lt3A_177 : i1 to i32
      %cond3A_179 = arith.constant 0 : i32
      %cond3A_180 = arith.cmpi ne, %convert_element_type3A_178, %cond3A_179 : i32
      scf.if %cond3A_180 {
        %ge3A = arith.constant 1 : i32
        %ge3A_193 = arith.cmpi sge, %add3A_171, %ge3A : i32
        %convert_element_type3A_194 = arith.extui %ge3A_193 : i1 to i32
        %cond3A_195 = arith.constant 0 : i32
        %cond3A_196 = arith.cmpi ne, %convert_element_type3A_194, %cond3A_195 : i32
        scf.if %cond3A_196 {
          %dma_wait3A_203 = arith.constant 0 : i32
          %dma_wait3A_204 = arith.constant 0 : i32
          %dma_wait3A_205 = tpu.memref_slice %arg7[%dma_wait3A_203, %dma_wait3A_204] : memref<125x80xi32, #tpu.memory_space<vmem>> -> memref<1x80xi32, #tpu.memory_space<vmem>>
          %dma_wait3A_206 = tpu.memref_squeeze %dma_wait3A_205 : memref<1x80xi32, #tpu.memory_space<vmem>> -> memref<80xi32, #tpu.memory_space<vmem>>
          %dma_wait3A_207 = arith.constant 0 : i32
          %dma_wait3A_208 = arith.constant 0 : i32
          %dma_wait3A_209 = tpu.memref_slice %arg13[%dma_wait3A_207, %dma_wait3A_208] : memref<10112x64xf32, #tpu.memory_space<vmem_shared>> -> memref<10112x64xf32, #tpu.memory_space<vmem_shared>>
          tpu.wait_indirect_dma semaphore(%arg22 : memref<!tpu.dma_semaphore, #tpu.memory_space<semaphore_mem>>) src(%arg11 : memref<80x64xf32, #tpu.memory_space<vmem>>) dst(%dma_wait3A_209 : memref<10112x64xf32, #tpu.memory_space<vmem_shared>>)
        } else {
        }
        %dma_start3A_197 = arith.constant 0 : i32
        %dma_start3A_198 = tpu.memref_slice %arg6[%sub3A_175, %dma_start3A_197] : memref<125x80xi32, #tpu.memory_space<vmem>> -> memref<1x80xi32, #tpu.memory_space<vmem>>
        %dma_start3A_199 = tpu.memref_squeeze %dma_start3A_198 : memref<1x80xi32, #tpu.memory_space<vmem>> -> memref<80xi32, #tpu.memory_space<vmem>>
        %dma_start3A_200 = arith.constant 0 : i32
        %dma_start3A_201 = arith.constant 0 : i32
        %dma_start3A_202 = tpu.memref_slice %arg2[%dma_start3A_200, %dma_start3A_201] : memref<10000x64xf32, #tpu.memory_space<hbm>> -> memref<10000x64xf32, #tpu.memory_space<hbm>>
        tpu.enqueue_indirect_dma source(%dma_start3A_202 : memref<10000x64xf32, #tpu.memory_space<hbm>>) target(%arg11 : memref<80x64xf32, #tpu.memory_space<vmem>>) offsets(%dma_start3A_199 : memref<80xi32, #tpu.memory_space<vmem>>) semaphore(%arg17 : memref<!tpu.dma_semaphore, #tpu.memory_space<semaphore_mem>>)
      } else {
      }
      %dma_wait3A_181 = arith.constant 0 : i32
      %dma_wait3A_182 = arith.constant 0 : i32
      %dma_wait3A_183 = tpu.memref_slice %arg2[%dma_wait3A_181, %dma_wait3A_182] : memref<10000x64xf32, #tpu.memory_space<hbm>> -> memref<80x64xf32, #tpu.memory_space<hbm>>
      %dma_wait3A_184 = arith.constant 0 : i32
      %dma_wait3A_185 = arith.constant 0 : i32
      %dma_wait3A_186 = tpu.memref_slice %arg2[%dma_wait3A_184, %dma_wait3A_185] : memref<10000x64xf32, #tpu.memory_space<hbm>> -> memref<80x64xf32, #tpu.memory_space<hbm>>
      tpu.wait_dma2 semaphore(%arg18 : memref<!tpu.dma_semaphore, #tpu.memory_space<semaphore_mem>>) src(%dma_wait3A_186 : memref<80x64xf32, #tpu.memory_space<hbm>>) dst(%arg12 : memref<80x64xf32, #tpu.memory_space<vmem>>)
      %dma_start3A_187 = arith.constant 0 : i32
      %dma_start3A_188 = tpu.memref_slice %arg7[%add3A_171, %dma_start3A_187] : memref<125x80xi32, #tpu.memory_space<vmem>> -> memref<1x80xi32, #tpu.memory_space<vmem>>
      %dma_start3A_189 = tpu.memref_squeeze %dma_start3A_188 : memref<1x80xi32, #tpu.memory_space<vmem>> -> memref<80xi32, #tpu.memory_space<vmem>>
      %dma_start3A_190 = arith.constant 0 : i32
      %dma_start3A_191 = arith.constant 0 : i32
      %dma_start3A_192 = tpu.memref_slice %arg13[%dma_start3A_190, %dma_start3A_191] : memref<10112x64xf32, #tpu.memory_space<vmem_shared>> -> memref<10112x64xf32, #tpu.memory_space<vmem_shared>>
      tpu.enqueue_indirect_dma source(%arg12 : memref<80x64xf32, #tpu.memory_space<vmem>>) target(%dma_start3A_192 : memref<10112x64xf32, #tpu.memory_space<vmem_shared>>) offsets(%dma_start3A_189 : memref<80xi32, #tpu.memory_space<vmem>>) semaphore(%arg23 : memref<!tpu.dma_semaphore, #tpu.memory_space<semaphore_mem>>) {add = true}
    }
    %scan3A_35 = arith.constant 25 : i32
    %dma_wait3A = arith.constant 0 : i32
    %dma_wait3A_36 = arith.constant 0 : i32
    %dma_wait3A_37 = tpu.memref_slice %arg7[%dma_wait3A, %dma_wait3A_36] : memref<125x80xi32, #tpu.memory_space<vmem>> -> memref<1x80xi32, #tpu.memory_space<vmem>>
    %dma_wait3A_38 = tpu.memref_squeeze %dma_wait3A_37 : memref<1x80xi32, #tpu.memory_space<vmem>> -> memref<80xi32, #tpu.memory_space<vmem>>
    %dma_wait3A_39 = arith.constant 0 : i32
    %dma_wait3A_40 = arith.constant 0 : i32
    %dma_wait3A_41 = tpu.memref_slice %arg13[%dma_wait3A_39, %dma_wait3A_40] : memref<10112x64xf32, #tpu.memory_space<vmem_shared>> -> memref<10112x64xf32, #tpu.memory_space<vmem_shared>>
    tpu.wait_indirect_dma semaphore(%arg19 : memref<!tpu.dma_semaphore, #tpu.memory_space<semaphore_mem>>) src(%arg8 : memref<80x64xf32, #tpu.memory_space<vmem>>) dst(%dma_wait3A_41 : memref<10112x64xf32, #tpu.memory_space<vmem_shared>>)
    %dma_wait3A_42 = arith.constant 0 : i32
    %dma_wait3A_43 = arith.constant 0 : i32
    %dma_wait3A_44 = tpu.memref_slice %arg7[%dma_wait3A_42, %dma_wait3A_43] : memref<125x80xi32, #tpu.memory_space<vmem>> -> memref<1x80xi32, #tpu.memory_space<vmem>>
    %dma_wait3A_45 = tpu.memref_squeeze %dma_wait3A_44 : memref<1x80xi32, #tpu.memory_space<vmem>> -> memref<80xi32, #tpu.memory_space<vmem>>
    %dma_wait3A_46 = arith.constant 0 : i32
    %dma_wait3A_47 = arith.constant 0 : i32
    %dma_wait3A_48 = tpu.memref_slice %arg13[%dma_wait3A_46, %dma_wait3A_47] : memref<10112x64xf32, #tpu.memory_space<vmem_shared>> -> memref<10112x64xf32, #tpu.memory_space<vmem_shared>>
    tpu.wait_indirect_dma semaphore(%arg20 : memref<!tpu.dma_semaphore, #tpu.memory_space<semaphore_mem>>) src(%arg9 : memref<80x64xf32, #tpu.memory_space<vmem>>) dst(%dma_wait3A_48 : memref<10112x64xf32, #tpu.memory_space<vmem_shared>>)
    %dma_wait3A_49 = arith.constant 0 : i32
    %dma_wait3A_50 = arith.constant 0 : i32
    %dma_wait3A_51 = tpu.memref_slice %arg7[%dma_wait3A_49, %dma_wait3A_50] : memref<125x80xi32, #tpu.memory_space<vmem>> -> memref<1x80xi32, #tpu.memory_space<vmem>>
    %dma_wait3A_52 = tpu.memref_squeeze %dma_wait3A_51 : memref<1x80xi32, #tpu.memory_space<vmem>> -> memref<80xi32, #tpu.memory_space<vmem>>
    %dma_wait3A_53 = arith.constant 0 : i32
    %dma_wait3A_54 = arith.constant 0 : i32
    %dma_wait3A_55 = tpu.memref_slice %arg13[%dma_wait3A_53, %dma_wait3A_54] : memref<10112x64xf32, #tpu.memory_space<vmem_shared>> -> memref<10112x64xf32, #tpu.memory_space<vmem_shared>>
    tpu.wait_indirect_dma semaphore(%arg21 : memref<!tpu.dma_semaphore, #tpu.memory_space<semaphore_mem>>) src(%arg10 : memref<80x64xf32, #tpu.memory_space<vmem>>) dst(%dma_wait3A_55 : memref<10112x64xf32, #tpu.memory_space<vmem_shared>>)
    %dma_wait3A_56 = arith.constant 0 : i32
    %dma_wait3A_57 = arith.constant 0 : i32
    %dma_wait3A_58 = tpu.memref_slice %arg7[%dma_wait3A_56, %dma_wait3A_57] : memref<125x80xi32, #tpu.memory_space<vmem>> -> memref<1x80xi32, #tpu.memory_space<vmem>>
    %dma_wait3A_59 = tpu.memref_squeeze %dma_wait3A_58 : memref<1x80xi32, #tpu.memory_space<vmem>> -> memref<80xi32, #tpu.memory_space<vmem>>
    %dma_wait3A_60 = arith.constant 0 : i32
    %dma_wait3A_61 = arith.constant 0 : i32
    %dma_wait3A_62 = tpu.memref_slice %arg13[%dma_wait3A_60, %dma_wait3A_61] : memref<10112x64xf32, #tpu.memory_space<vmem_shared>> -> memref<10112x64xf32, #tpu.memory_space<vmem_shared>>
    tpu.wait_indirect_dma semaphore(%arg22 : memref<!tpu.dma_semaphore, #tpu.memory_space<semaphore_mem>>) src(%arg11 : memref<80x64xf32, #tpu.memory_space<vmem>>) dst(%dma_wait3A_62 : memref<10112x64xf32, #tpu.memory_space<vmem_shared>>)
    %dma_wait3A_63 = arith.constant 0 : i32
    %dma_wait3A_64 = arith.constant 0 : i32
    %dma_wait3A_65 = tpu.memref_slice %arg7[%dma_wait3A_63, %dma_wait3A_64] : memref<125x80xi32, #tpu.memory_space<vmem>> -> memref<1x80xi32, #tpu.memory_space<vmem>>
    %dma_wait3A_66 = tpu.memref_squeeze %dma_wait3A_65 : memref<1x80xi32, #tpu.memory_space<vmem>> -> memref<80xi32, #tpu.memory_space<vmem>>
    %dma_wait3A_67 = arith.constant 0 : i32
    %dma_wait3A_68 = arith.constant 0 : i32
    %dma_wait3A_69 = tpu.memref_slice %arg13[%dma_wait3A_67, %dma_wait3A_68] : memref<10112x64xf32, #tpu.memory_space<vmem_shared>> -> memref<10112x64xf32, #tpu.memory_space<vmem_shared>>
    tpu.wait_indirect_dma semaphore(%arg23 : memref<!tpu.dma_semaphore, #tpu.memory_space<semaphore_mem>>) src(%arg12 : memref<80x64xf32, #tpu.memory_space<vmem>>) dst(%dma_wait3A_69 : memref<10112x64xf32, #tpu.memory_space<vmem_shared>>)
    %barrier3A_70 = arith.constant 0 : index
    tpu.barrier barrier_id(%barrier3A_70)
    "tpu.region"() ({
      %run_scoped3A_71 = tpu.sem_alloc : memref<!tpu.dma_semaphore, #tpu.memory_space<semaphore_mem>>
      %dma_start3A_72 = arith.constant 0 : i32
      %dma_start3A_73 = tpu.memref_slice %arg5[%arg0, %mul3A_2, %dma_start3A_72] : memref<2x10112x64xf32, #tpu.memory_space<hbm>> -> memref<1x632x64xf32, #tpu.memory_space<hbm>>
      %dma_start3A_74 = tpu.memref_squeeze %dma_start3A_73 : memref<1x632x64xf32, #tpu.memory_space<hbm>> -> memref<632x64xf32, #tpu.memory_space<hbm>>
      %dma_start3A_75 = arith.constant 0 : i32
      %dma_start3A_76 = tpu.memref_slice %arg13[%mul3A_2, %dma_start3A_75] : memref<10112x64xf32, #tpu.memory_space<vmem_shared>> -> memref<632x64xf32, #tpu.memory_space<vmem_shared>>
      tpu.enqueue_dma source(%dma_start3A_76 : memref<632x64xf32, #tpu.memory_space<vmem_shared>>) target(%dma_start3A_74 : memref<632x64xf32, #tpu.memory_space<hbm>>) target_semaphore(%run_scoped3A_71 : memref<!tpu.dma_semaphore, #tpu.memory_space<semaphore_mem>>)
      %dma_wait3A_77 = arith.constant 0 : i32
      %dma_wait3A_78 = tpu.memref_slice %arg5[%arg0, %mul3A_2, %dma_wait3A_77] : memref<2x10112x64xf32, #tpu.memory_space<hbm>> -> memref<1x632x64xf32, #tpu.memory_space<hbm>>
      %dma_wait3A_79 = tpu.memref_squeeze %dma_wait3A_78 : memref<1x632x64xf32, #tpu.memory_space<hbm>> -> memref<632x64xf32, #tpu.memory_space<hbm>>
      %dma_wait3A_80 = arith.constant 0 : i32
      %dma_wait3A_81 = tpu.memref_slice %arg13[%mul3A_2, %dma_wait3A_80] : memref<10112x64xf32, #tpu.memory_space<vmem_shared>> -> memref<632x64xf32, #tpu.memory_space<vmem_shared>>
      tpu.wait_dma2 semaphore(%run_scoped3A_71 : memref<!tpu.dma_semaphore, #tpu.memory_space<semaphore_mem>>) src(%dma_wait3A_81 : memref<632x64xf32, #tpu.memory_space<vmem_shared>>) dst(%dma_wait3A_79 : memref<632x64xf32, #tpu.memory_space<hbm>>)
      tpu.yield
    }) : () -> ()
    return
  }
}

module attributes {stable_mosaic.version = 14 : i64} {
  func.func @_mlp1_body(%arg0: i32, %arg1: memref<2000x128xf32, #tpu.memory_space<vmem>>, %arg2: memref<2x2000x128xf32, #tpu.memory_space<vmem>>, %arg3: memref<128x64xf32, #tpu.memory_space<vmem>>, %arg4: memref<1x64xf32, #tpu.memory_space<vmem>>, %arg5: memref<64x64xf32, #tpu.memory_space<vmem>>, %arg6: memref<1x64xf32, #tpu.memory_space<vmem>>, %arg7: memref<2000x64xf32, #tpu.memory_space<vmem>>) attributes {dimension_semantics = [#tpu.dimension_semantics<arbitrary>], iteration_bounds = array<i64: 5>, scalar_prefetch = 0 : i64, scratch_operands = 0 : i64, tpu.core_type = #tpu.core_type<tc>, window_params = [{transform_indices = @transform_0, window_bounds = array<i64: 2000, 128>}, {transform_indices = @transform_1, window_bounds = array<i64: 2, 2000, 128>}, {pipeline_mode = #tpu.pipeline_mode<synchronous>, transform_indices = @transform_2, window_bounds = array<i64: 128, 64>}, {pipeline_mode = #tpu.pipeline_mode<synchronous>, transform_indices = @transform_3, window_bounds = array<i64: 1, 64>}, {pipeline_mode = #tpu.pipeline_mode<synchronous>, transform_indices = @transform_4, window_bounds = array<i64: 64, 64>}, {pipeline_mode = #tpu.pipeline_mode<synchronous>, transform_indices = @transform_5, window_bounds = array<i64: 1, 64>}, {transform_indices = @transform_6, window_bounds = array<i64: 2000, 64>}]} {
    %get3A = arith.constant 0 : index
    %get3A_0 = arith.constant 0 : index
    %get3A_1 = vector.load %arg1[%get3A, %get3A_0] : memref<2000x128xf32, #tpu.memory_space<vmem>>, vector<2000x128xf32>
    %get3A_2 = arith.constant 0 : index
    %get3A_3 = arith.constant 0 : index
    %get3A_4 = arith.constant 0 : index
    %get3A_5 = vector.load %arg2[%get3A_2, %get3A_3, %get3A_4] : memref<2x2000x128xf32, #tpu.memory_space<vmem>>, vector<1x2000x128xf32>
    %get3A_6 = vector.shape_cast %get3A_5 : vector<1x2000x128xf32> to vector<2000x128xf32>
    %add3A = arith.addf %get3A_1, %get3A_6 : vector<2000x128xf32>
    %get3A_7 = arith.constant 1 : index
    %get3A_8 = arith.constant 0 : index
    %get3A_9 = arith.constant 0 : index
    %get3A_10 = vector.load %arg2[%get3A_7, %get3A_8, %get3A_9] : memref<2x2000x128xf32, #tpu.memory_space<vmem>>, vector<1x2000x128xf32>
    %get3A_11 = vector.shape_cast %get3A_10 : vector<1x2000x128xf32> to vector<2000x128xf32>
    %add3A_12 = arith.addf %add3A, %get3A_11 : vector<2000x128xf32>
    %get3A_13 = arith.constant 0 : index
    %get3A_14 = arith.constant 0 : index
    %get3A_15 = vector.load %arg3[%get3A_13, %get3A_14] : memref<128x64xf32, #tpu.memory_space<vmem>>, vector<128x64xf32>
    %dot_general3A = arith.constant dense<0.000000e+00> : vector<2000x64xf32>
    %dot_general3A_16 = tpu.matmul %add3A_12, %get3A_15, %dot_general3A {dimension_numbers = #tpu.dot_dimension_numbers<[1], [0], [0], [1], [0, 0, 1, 1], [], []>, transpose_lhs_hint = false} : vector<2000x128xf32>, vector<128x64xf32>, vector<2000x64xf32> -> vector<2000x64xf32>
    %get3A_17 = arith.constant 0 : index
    %get3A_18 = arith.constant 0 : index
    %get3A_19 = vector.load %arg4[%get3A_17, %get3A_18] : memref<1x64xf32, #tpu.memory_space<vmem>>, vector<1x64xf32>
    %add3A_20 = vector.broadcast %get3A_19 : vector<1x64xf32> to vector<2000x64xf32>
    %add3A_21 = arith.addf %dot_general3A_16, %add3A_20 : vector<2000x64xf32>
    %max3A = arith.constant 0.000000e+00 : f32
    %max3A_22 = vector.broadcast %max3A : f32 to vector<2000x64xf32>
    %max3A_23 = arith.maximumf %add3A_21, %max3A_22 : vector<2000x64xf32>
    %get3A_24 = arith.constant 0 : index
    %get3A_25 = arith.constant 0 : index
    %get3A_26 = vector.load %arg5[%get3A_24, %get3A_25] : memref<64x64xf32, #tpu.memory_space<vmem>>, vector<64x64xf32>
    %dot_general3A_27 = arith.constant dense<0.000000e+00> : vector<2000x64xf32>
    %dot_general3A_28 = tpu.matmul %max3A_23, %get3A_26, %dot_general3A_27 {dimension_numbers = #tpu.dot_dimension_numbers<[1], [0], [0], [1], [0, 0, 1, 1], [], []>, transpose_lhs_hint = false} : vector<2000x64xf32>, vector<64x64xf32>, vector<2000x64xf32> -> vector<2000x64xf32>
    %get3A_29 = arith.constant 0 : index
    %get3A_30 = arith.constant 0 : index
    %get3A_31 = vector.load %arg6[%get3A_29, %get3A_30] : memref<1x64xf32, #tpu.memory_space<vmem>>, vector<1x64xf32>
    %add3A_32 = vector.broadcast %get3A_31 : vector<1x64xf32> to vector<2000x64xf32>
    %add3A_33 = arith.addf %dot_general3A_28, %add3A_32 : vector<2000x64xf32>
    %max3A_34 = arith.constant 0.000000e+00 : f32
    %max3A_35 = vector.broadcast %max3A_34 : f32 to vector<2000x64xf32>
    %max3A_36 = arith.maximumf %add3A_33, %max3A_35 : vector<2000x64xf32>
    %swap3A = arith.constant 0 : index
    %swap3A_37 = arith.constant 0 : index
    %swap3A_38 = vector.load %arg7[%swap3A, %swap3A_37] : memref<2000x64xf32, #tpu.memory_space<vmem>>, vector<2000x64xf32>
    tpu.vector_store %arg7[%swap3A, %swap3A_37], %max3A_36 {strides = array<i32>} : memref<2000x64xf32, #tpu.memory_space<vmem>>, vector<2000x64xf32>,
    return
  }
  func.func @transform_0(%arg0: i32) -> (i32, i32) {
    %c0_i32 = arith.constant 0 : i32
    %c0_i32_0 = arith.constant 0 : i32
    return %arg0, %c0_i32 : i32, i32
  }
  func.func @transform_1(%arg0: i32) -> (i32, i32, i32) {
    %c0_i32 = arith.constant 0 : i32
    %c0_i32_0 = arith.constant 0 : i32
    %c0_i32_1 = arith.constant 0 : i32
    return %c0_i32, %arg0, %c0_i32_0 : i32, i32, i32
  }
  func.func @transform_2(%arg0: i32) -> (i32, i32) {
    %c0_i32 = arith.constant 0 : i32
    %c0_i32_0 = arith.constant 0 : i32
    %c0_i32_1 = arith.constant 0 : i32
    return %c0_i32, %c0_i32_0 : i32, i32
  }
  func.func @transform_3(%arg0: i32) -> (i32, i32) {
    %c0_i32 = arith.constant 0 : i32
    %c0_i32_0 = arith.constant 0 : i32
    %c0_i32_1 = arith.constant 0 : i32
    return %c0_i32, %c0_i32_0 : i32, i32
  }
  func.func @transform_4(%arg0: i32) -> (i32, i32) {
    %c0_i32 = arith.constant 0 : i32
    %c0_i32_0 = arith.constant 0 : i32
    %c0_i32_1 = arith.constant 0 : i32
    return %c0_i32, %c0_i32_0 : i32, i32
  }
  func.func @transform_5(%arg0: i32) -> (i32, i32) {
    %c0_i32 = arith.constant 0 : i32
    %c0_i32_0 = arith.constant 0 : i32
    %c0_i32_1 = arith.constant 0 : i32
    return %c0_i32, %c0_i32_0 : i32, i32
  }
  func.func @transform_6(%arg0: i32) -> (i32, i32) {
    %c0_i32 = arith.constant 0 : i32
    %c0_i32_0 = arith.constant 0 : i32
    return %arg0, %c0_i32 : i32, i32
  }
}

module attributes {stable_mosaic.version = 14 : i64} {
  func.func @_mlp2_body(%arg0: i32, %arg1: memref<2000x64xf32, #tpu.memory_space<vmem>>, %arg2: memref<2x2000x64xf32, #tpu.memory_space<vmem>>, %arg3: memref<64x64xf32, #tpu.memory_space<vmem>>, %arg4: memref<1x64xf32, #tpu.memory_space<vmem>>, %arg5: memref<64x64xf32, #tpu.memory_space<vmem>>, %arg6: memref<1x64xf32, #tpu.memory_space<vmem>>, %arg7: memref<2000x64xf32, #tpu.memory_space<vmem>>) attributes {dimension_semantics = [#tpu.dimension_semantics<arbitrary>], iteration_bounds = array<i64: 5>, scalar_prefetch = 0 : i64, scratch_operands = 0 : i64, tpu.core_type = #tpu.core_type<tc>, window_params = [{transform_indices = @transform_0, window_bounds = array<i64: 2000, 64>}, {transform_indices = @transform_1, window_bounds = array<i64: 2, 2000, 64>}, {pipeline_mode = #tpu.pipeline_mode<synchronous>, transform_indices = @transform_2, window_bounds = array<i64: 64, 64>}, {pipeline_mode = #tpu.pipeline_mode<synchronous>, transform_indices = @transform_3, window_bounds = array<i64: 1, 64>}, {pipeline_mode = #tpu.pipeline_mode<synchronous>, transform_indices = @transform_4, window_bounds = array<i64: 64, 64>}, {pipeline_mode = #tpu.pipeline_mode<synchronous>, transform_indices = @transform_5, window_bounds = array<i64: 1, 64>}, {transform_indices = @transform_6, window_bounds = array<i64: 2000, 64>}]} {
    %get3A = arith.constant 0 : index
    %get3A_0 = arith.constant 0 : index
    %get3A_1 = vector.load %arg1[%get3A, %get3A_0] : memref<2000x64xf32, #tpu.memory_space<vmem>>, vector<2000x64xf32>
    %get3A_2 = arith.constant 0 : index
    %get3A_3 = arith.constant 0 : index
    %get3A_4 = arith.constant 0 : index
    %get3A_5 = vector.load %arg2[%get3A_2, %get3A_3, %get3A_4] : memref<2x2000x64xf32, #tpu.memory_space<vmem>>, vector<1x2000x64xf32>
    %get3A_6 = vector.shape_cast %get3A_5 : vector<1x2000x64xf32> to vector<2000x64xf32>
    %add3A = arith.addf %get3A_1, %get3A_6 : vector<2000x64xf32>
    %get3A_7 = arith.constant 1 : index
    %get3A_8 = arith.constant 0 : index
    %get3A_9 = arith.constant 0 : index
    %get3A_10 = vector.load %arg2[%get3A_7, %get3A_8, %get3A_9] : memref<2x2000x64xf32, #tpu.memory_space<vmem>>, vector<1x2000x64xf32>
    %get3A_11 = vector.shape_cast %get3A_10 : vector<1x2000x64xf32> to vector<2000x64xf32>
    %add3A_12 = arith.addf %add3A, %get3A_11 : vector<2000x64xf32>
    %get3A_13 = arith.constant 0 : index
    %get3A_14 = arith.constant 0 : index
    %get3A_15 = vector.load %arg3[%get3A_13, %get3A_14] : memref<64x64xf32, #tpu.memory_space<vmem>>, vector<64x64xf32>
    %dot_general3A = arith.constant dense<0.000000e+00> : vector<2000x64xf32>
    %dot_general3A_16 = tpu.matmul %add3A_12, %get3A_15, %dot_general3A {dimension_numbers = #tpu.dot_dimension_numbers<[1], [0], [0], [1], [0, 0, 1, 1], [], []>, transpose_lhs_hint = false} : vector<2000x64xf32>, vector<64x64xf32>, vector<2000x64xf32> -> vector<2000x64xf32>
    %get3A_17 = arith.constant 0 : index
    %get3A_18 = arith.constant 0 : index
    %get3A_19 = vector.load %arg4[%get3A_17, %get3A_18] : memref<1x64xf32, #tpu.memory_space<vmem>>, vector<1x64xf32>
    %add3A_20 = vector.broadcast %get3A_19 : vector<1x64xf32> to vector<2000x64xf32>
    %add3A_21 = arith.addf %dot_general3A_16, %add3A_20 : vector<2000x64xf32>
    %max3A = arith.constant 0.000000e+00 : f32
    %max3A_22 = vector.broadcast %max3A : f32 to vector<2000x64xf32>
    %max3A_23 = arith.maximumf %add3A_21, %max3A_22 : vector<2000x64xf32>
    %get3A_24 = arith.constant 0 : index
    %get3A_25 = arith.constant 0 : index
    %get3A_26 = vector.load %arg5[%get3A_24, %get3A_25] : memref<64x64xf32, #tpu.memory_space<vmem>>, vector<64x64xf32>
    %dot_general3A_27 = arith.constant dense<0.000000e+00> : vector<2000x64xf32>
    %dot_general3A_28 = tpu.matmul %max3A_23, %get3A_26, %dot_general3A_27 {dimension_numbers = #tpu.dot_dimension_numbers<[1], [0], [0], [1], [0, 0, 1, 1], [], []>, transpose_lhs_hint = false} : vector<2000x64xf32>, vector<64x64xf32>, vector<2000x64xf32> -> vector<2000x64xf32>
    %get3A_29 = arith.constant 0 : index
    %get3A_30 = arith.constant 0 : index
    %get3A_31 = vector.load %arg6[%get3A_29, %get3A_30] : memref<1x64xf32, #tpu.memory_space<vmem>>, vector<1x64xf32>
    %add3A_32 = vector.broadcast %get3A_31 : vector<1x64xf32> to vector<2000x64xf32>
    %add3A_33 = arith.addf %dot_general3A_28, %add3A_32 : vector<2000x64xf32>
    %reduce_max3A = arith.constant dense<0xFF800000> : vector<2000xf32>
    %reduce_max3A_34 = vector.multi_reduction <maximumf>, %add3A_33, %reduce_max3A [1] : vector<2000x64xf32> to vector<2000xf32>
    %broadcast_in_dim3A = vector.shape_cast %reduce_max3A_34 : vector<2000xf32> to vector<2000x1xf32>
    %sub3A = vector.broadcast %broadcast_in_dim3A : vector<2000x1xf32> to vector<2000x64xf32>
    %sub3A_35 = arith.subf %add3A_33, %sub3A : vector<2000x64xf32>
    %exp3A = math.exp %sub3A_35 : vector<2000x64xf32>
    %reduce_sum3A = arith.constant dense<0.000000e+00> : vector<2000xf32>
    %reduce_sum3A_36 = vector.multi_reduction <add>, %exp3A, %reduce_sum3A [1] : vector<2000x64xf32> to vector<2000xf32>
    %broadcast_in_dim3A_37 = vector.shape_cast %reduce_sum3A_36 : vector<2000xf32> to vector<2000x1xf32>
    %div3A = vector.broadcast %broadcast_in_dim3A_37 : vector<2000x1xf32> to vector<2000x64xf32>
    %div3A_38 = arith.divf %exp3A, %div3A : vector<2000x64xf32>
    %swap3A = arith.constant 0 : index
    %swap3A_39 = arith.constant 0 : index
    %swap3A_40 = vector.load %arg7[%swap3A, %swap3A_39] : memref<2000x64xf32, #tpu.memory_space<vmem>>, vector<2000x64xf32>
    tpu.vector_store %arg7[%swap3A, %swap3A_39], %div3A_38 {strides = array<i32>} : memref<2000x64xf32, #tpu.memory_space<vmem>>, vector<2000x64xf32>,
    return
  }
  func.func @transform_0(%arg0: i32) -> (i32, i32) {
    %c0_i32 = arith.constant 0 : i32
    %c0_i32_0 = arith.constant 0 : i32
    return %arg0, %c0_i32 : i32, i32
  }
  func.func @transform_1(%arg0: i32) -> (i32, i32, i32) {
    %c0_i32 = arith.constant 0 : i32
    %c0_i32_0 = arith.constant 0 : i32
    %c0_i32_1 = arith.constant 0 : i32
    return %c0_i32, %arg0, %c0_i32_0 : i32, i32, i32
  }
  func.func @transform_2(%arg0: i32) -> (i32, i32) {
    %c0_i32 = arith.constant 0 : i32
    %c0_i32_0 = arith.constant 0 : i32
    %c0_i32_1 = arith.constant 0 : i32
    return %c0_i32, %c0_i32_0 : i32, i32
  }
  func.func @transform_3(%arg0: i32) -> (i32, i32) {
    %c0_i32 = arith.constant 0 : i32
    %c0_i32_0 = arith.constant 0 : i32
    %c0_i32_1 = arith.constant 0 : i32
    return %c0_i32, %c0_i32_0 : i32, i32
  }
  func.func @transform_4(%arg0: i32) -> (i32, i32) {
    %c0_i32 = arith.constant 0 : i32
    %c0_i32_0 = arith.constant 0 : i32
    %c0_i32_1 = arith.constant 0 : i32
    return %c0_i32, %c0_i32_0 : i32, i32
  }
  func.func @transform_5(%arg0: i32) -> (i32, i32) {
    %c0_i32 = arith.constant 0 : i32
    %c0_i32_0 = arith.constant 0 : i32
    %c0_i32_1 = arith.constant 0 : i32
    return %c0_i32, %c0_i32_0 : i32, i32
  }
  func.func @transform_6(%arg0: i32) -> (i32, i32) {
    %c0_i32 = arith.constant 0 : i32
    %c0_i32_0 = arith.constant 0 : i32
    return %arg0, %c0_i32 : i32, i32
  }
}

</mosaic_0001>

<sc_bundles>
// kernel: kernel.6.cloned.1.call-start
scs
__scs_entry_jumppad:
0x0: {  	(pc) =	sbr.rel $0x88, $3  }
0x1: {  	(tag) =	ssettag $0x0;
	lr =	simm.s32 $0x1  }
0x2: {  	[smem:$0x3F97] =	sst lr;
	_ =	strace $0xD0000000  }
0x3: {  	_ = 	snop  }
0x4: {  	_ = 	snop  }
0x5: {  	_ = 	snop  }
0x6: {  	_ = 	snop  }
0x7: {  	_ = 	snop  }
__scs_overlays_trampoline_lowered:
0x8: {  	[smem:$0x3FA6] =	sst s0  }
0x9: {  	[smem:$0x3FA7] =	sst s1  }
0xa: {  	[smem:$0x3FA8] =	sst s2  }
0xb: {  	[smem:$0x3FA9] =	sst s3  }
0xc: {  	[smem:$0x3FAA] =	sst s4  }
0xd: {  	[smem:$0x3FAB] =	sst s5  }
0xe: {  	[smem:$0x3FAC] =	sst s6  }
0xf: {  	[smem:$0x3FAD] =	sst s7  }
0x10: {  	[smem:$0x3FAE] =	sst s8  }
0x11: {  	[smem:$0x3FAF] =	sst s9;
	s0 =	simm.s32 @!p0 $0x0  }
0x12: {  	s1 =	sld [smem:$0x3F95];
	s0 =	simm.s32 @p0 $0x1  }
0x13: {  	[smem:$0x3FB0] =	sst s0;
	s0 =	simm.s32 @!p1 $0x0  }
0x14: {  	s2 =	sld [smem:$0x3F94];
	s0 =	simm.s32 @p1 $0x1  }
0x15: {  	[smem:$0x3FB1] =	sst s0;
	s0 =	simm.s32 @!p2 $0x0  }
0x16: {  	s3 =	sld [smem:$0x3FDB];
	s0 =	simm.s32 @p2 $0x1  }
0x17: {  	s4 =	simm.s32 $0x1BF5;
	[smem:$0x3FB3] =	sst s0  }
0x18: {  	s0 =	sld [smem:$0x3F96];
	_ =	swait.ge [sflag:s4], $0x0  }
0x19: {  	s7 =	sld [smem:$0x3F97]  }
0x1a: {  	s8 =	sadd.s32 $0xFFFFE003, lr  }
0x1b: {  	s9 =	sadd.s32 $0xFFFFFEF7, lr;
	s5 =	simm.s32 $0xFFFFFFFF;
	p2 =	slt.u32 s8, $0xFFFFF086  }
0x1c: {  	p1 =	slt.u32 s9, $0xF7A;
	s5 =	simm.s32 @!p2 $0x0  }
0x1d: {  	s5 =	simm.s32 @p1 $0x1;
	p0 =	seq.s32 s7, s2  }
0x1e: {  	s7 =	smul.u32 @!p0 $0xF7A, s2;
	p2 =	seq.s32 @!p0 s5, $0x0  }
0x1f: {  	s9 =	smul.u32 $0xF7A, s1;
	s8 =	simm.s32 @!p0 $0x1BF5;
	p2 =	por !p2, p0  }
0x20: {  	[sflag:s8] =	ssyncset.s32 @!p0 $0xFFFFF086;
	s6 =	sadd.s32 @!p0 s3, s7;
	s7 =	simm.s32 @!p0 $0x108  }
0x21: {  	s3 =	sadd.s32 s3, s9;
	s6 =	sadd.s32 @!p0 $0x88, s6;
	s7 =	simm.s32 @p2 $0x1082  }
0x22: {  	[simem:s7], [sflag:s8] =	dma.local @!p0 [hbm:s6], $0xF7A  }
0x23: {  	s9 =	sor.u32 $0xD0000000, s2;
	s6 =	simm.s32 $0x108;
	_ =	swait.ge @!p0 [sflag:s8], $0x0  }
0x24: {  	s3 =	sadd.s32 $0x88, s3;
	s6 =	simm.s32 @!p1 $0x1082;
	[sflag:s4] =	ssyncset.s32 $0xFFFFF086  }
0x25: {  	[simem:s6], [sflag:s4] =	dma.local [hbm:s3], $0xF7A  }
0x26: {  	[smem:$0x3F97] =	sst s1;
	(tag) =	ssettag s2;
	_ =	strace s9  }
0x27: {  	s1 =	sld [smem:$0x3FA7]  }
0x28: {  	s2 =	sld [smem:$0x3FA8]  }
0x29: {  	s4 =	sld [smem:$0x3FAA]  }
0x2a: {  	p0 =	seq.s32 s5, $0x0;
	s5 =	sld [smem:$0x3FAB]  }
0x2b: {  	s6 =	sld [smem:$0x3FAC]  }
0x2c: {  	s7 =	sld [smem:$0x3FAD]  }
0x2d: {  	s3 =	simm.s32 $0x108;
	s8 =	sld [smem:$0x3FAE]  }
0x2e: {  	s3 =	simm.s32 @!p0 $0x1082;
	s9 =	sld [smem:$0x3FAF]  }
0x2f: {  	lr =	sadd.s32 s0, s3;
	s0 =	sld [smem:$0x3FA6]  }
0x30: {  	s3 =	sld [smem:$0x3FA9]  }
0x31: {  	[smem:$0x3FB2] =	sst s10  }
0x32: {  	s10 =	sld [smem:$0x3FB0];
	_ =	sdelay $0x3  }
0x33: {  	p0 =	seq.s32 s10, $0x1;
	s10 =	sld [smem:$0x3FB2];
	_ =	sdelay $0x3  }
0x34: {  	[smem:$0x3FB2] =	sst s10  }
0x35: {  	s10 =	sld [smem:$0x3FB1];
	_ =	sdelay $0x3  }
0x36: {  	p1 =	seq.s32 s10, $0x1;
	s10 =	sld [smem:$0x3FB2];
	_ =	sdelay $0x3  }
0x37: {  	[smem:$0x3FB2] =	sst s10  }
0x38: {  	s10 =	sld [smem:$0x3FB3]  }
0x39: {  	_ = 	snop;
	(pc) =	sbr.ind lr, $3  }
0x3a: {  	_ = 	snop  }
0x3b: {  	_ = 	snop  }
0x3c: {  	p2 =	seq.s32 s10, $0x1;
	s10 =	sld [smem:$0x3FB2]  }
0x3d: {  	_ =	shalt  }
0x3e: {  	_ =	shalt  }
0x3f: {  	_ =	shalt  }
0x40: {  	_ =	shalt  }
0x41: {  	_ =	shalt  }
0x42: {  	_ =	shalt  }
0x43: {  	_ =	shalt  }
0x44: {  	_ =	shalt  }
0x45: {  	_ =	shalt  }
0x46: {  	_ =	shalt  }
0x47: {  	_ =	shalt  }
0x48: {  	_ =	shalt  }
0x49: {  	_ =	shalt  }
0x4a: {  	_ =	shalt  }
0x4b: {  	_ =	shalt  }
0x4c: {  	_ =	shalt  }
0x4d: {  	_ =	shalt  }
0x4e: {  	_ =	shalt  }
0x4f: {  	_ =	shalt  }
0x50: {  	_ =	shalt  }
0x51: {  	_ =	shalt  }
0x52: {  	_ =	shalt  }
0x53: {  	_ =	shalt  }
0x54: {  	_ =	shalt  }
0x55: {  	_ =	shalt  }
0x56: {  	_ =	shalt  }
0x57: {  	_ =	shalt  }
0x58: {  	_ =	shalt  }
0x59: {  	_ =	shalt  }
0x5a: {  	_ =	shalt  }
0x5b: {  	_ =	shalt  }
0x5c: {  	_ =	shalt  }
0x5d: {  	_ =	shalt  }
0x5e: {  	_ =	shalt  }
0x5f: {  	_ =	shalt  }
0x60: {  	_ =	shalt  }
0x61: {  	_ =	shalt  }
0x62: {  	_ =	shalt  }
0x63: {  	_ =	shalt  }
0x64: {  	_ =	shalt  }
0x65: {  	_ =	shalt  }
0x66: {  	_ =	shalt  }
0x67: {  	_ =	shalt  }
0x68: {  	_ =	shalt  }
0x69: {  	_ =	shalt  }
0x6a: {  	_ =	shalt  }
0x6b: {  	_ =	shalt  }
0x6c: {  	_ =	shalt  }
0x6d: {  	_ =	shalt  }
0x6e: {  	_ =	shalt  }
0x6f: {  	_ =	shalt  }
0x70: {  	_ =	shalt  }
0x71: {  	_ =	shalt  }
0x72: {  	_ =	shalt  }
0x73: {  	_ =	shalt  }
0x74: {  	_ =	shalt  }
0x75: {  	_ =	shalt  }
0x76: {  	_ =	shalt  }
0x77: {  	_ =	shalt  }
0x78: {  	_ =	shalt  }
0x79: {  	_ =	shalt  }
0x7a: {  	_ =	shalt  }
0x7b: {  	_ =	shalt  }
0x7c: {  	_ =	shalt  }
0x7d: {  	_ =	shalt  }
0x7e: {  	_ =	shalt  }
0x7f: {  	_ =	shalt  }
0x80: {  	_ =	shalt  }
0x81: {  	_ =	shalt  }
0x82: {  	_ =	shalt  }
0x83: {  	_ =	shalt  }
0x84: {  	_ =	shalt  }
0x85: {  	_ =	shalt  }
0x86: {  	_ =	shalt  }
0x87: {  	_ =	shalt  }
.Lfunc_end0:
.L_simem_size_0:
called_computation_lowered:
.L_overlay_start_0:
0x88: {  	s2 =	sld [smem:$0x3FD9]  }
0x89: {  	s3 =	sld [smem:$0x3FFE];
	_ =	sdelay $0x1  }
0x8a: {  	s1 =	srdreg.scid  }
0x8b: {  	s0 =	sand.u32 $0x1, s1  }
0x8c: {  	s17 =	sshll.u32 s0, $0xA;
	s2 =	sadd.s32 s3, s2  }
0x8d: {  	s2 =	sadd.s32 s2, s17  }
0x8e: {  	[smem:$0x3FBE] =	sst s2  }
0x8f: {  	_ = 	snop  }
0x90: {  	s2 =	sld [smem:$0x3FC9]  }
0x91: {  	s18 =	sld [smem:$0x3FD0];
	(tm) =	ssettm $0x1  }
0x92: {  	s4 =	sld [smem:$0x3FFB];
	_ =	sdelay $0x3  }
0x93: {  	_ =	strace s4  }
0x94: {  	s4 =	sld [smem:$0x3FFC];
	_ =	sdelay $0x3  }
0x95: {  	_ =	strace s4  }
0x96: {  	s4 =	sld [smem:$0x3FFD];
	_ =	sdelay $0x3  }
0x97: {  	_ =	strace s4  }
0x98: {  	_ =	strace $0x8FFFFFFF  }
0x99: {  	s19 =	sld [smem:$0x3FDB];
	_ =	sdelay $0x1  }
0x9a: {  	s5 =	simm.s32 $_scs_section_size  }
0x9b: {  	s6 =	simm.s32 $_size__tile_overlayer_lowered;
	s7 =	simm.s32 $_tile_overlayer_lowered  }
0x9c: {  	s22 =	simm.s32 $0x1BFF;
	s21 =	sshll.u32 s7, $0x1;
	s4 =	sadd.s32 s5, s19  }
0x9d: {  	s8 =	simm.s32 $0x0;
	s20 =	sshll.u32 s6, $0x1;
	s6 =	sadd.s32 s21, s4  }
0x9e: {  	[timem:s8], [sflag:s22] =	dma.local [hbm:s6], s20  }
0x9f: {  	_ =	swait.ge [sflag:s22], s20  }
0xa0: {  	s5 =	ssub.s32 $0x0, s20;
	[sflag:s22] =	ssyncset.done $0x0  }
0xa1: {  	[sflag:s22] =	ssyncadd.s32 s5;
	_ =	sdelay $0x1  }
0xa2: {  	s23 =	simm.s32 $0x1B8B  }
0xa3: {  	_ =	swait.ge [sflag:s23], $0x1  }
0xa4: {  	[sflag:s23] =	ssyncset.done $0x0  }
0xa5: {  	s25 =	simm.s32 $0x1B8E;
	s24 =	sld [smem:$0x3FFE];
	[sflag:s23] =	ssyncadd.s32 $0xFFFFFFFF  }
0xa6: {  	s26 =	simm.s32 $execute0_lowered;
	[smem:$0x3FD2] =	sst s25  }
0xa7: {  	s6 =	sshll.u32 s26, $0x1;
	_ =	strace $0x80000046;
	[dreg:$0x1] =	wrdreg $0xFFFFFFFF  }
0xa8: {  	s28 =	simm.s32 $_size_execute0_lowered;
	s4 =	sadd.s32 s4, s6;
	[dreg:$0x0] =	wrdreg $0x0  }
0xa9: {  	s6 =	sshll.u32 s28, $0x1;
	[dreg:$0x2] =	wrdreg s4  }
0xaa: {  	[dreg:$0x3] =	wrdreg s6  }
0xab: {  	[dreg:$0x4] =	wrdreg $0xC0  }
0xac: {  	_ =	task [dreg:s8], $0x5FFFF  }
0xad: {  	[dreg:$0x1] =	wrdreg $0xFFFFFFFF  }
0xae: {  	[dreg:$0x0] =	wrdreg $0x60  }
0xaf: {  	[dreg:$0x2] =	wrdreg s2  }
0xb0: {  	[dreg:$0x3] =	wrdreg s18  }
0xb1: {  	[dreg:$0x4] =	wrdreg s24  }
0xb2: {  	[dreg:$0x5] =	wrdreg $0xB2200  }
0xb3: {  	[dreg:$0x6] =	wrdreg $0x9  }
0xb4: {  	_ =	task.clear_ibuf [dreg:s8], $0x7FFFF;
	_ =	strace $0x90000046  }
0xb5: {  	s29 =	simm.s32 $0x9;
	_ =	strace $0x80000048  }
0xb6: {  	_ =	swait.ge [sflag:s29], $0x1  }
0xb7: {  	[sflag:s29] =	ssyncadd.s32 $0xFFFFFFFF  }
0xb8: {  	_ =	strace $0x90000048  }
0xb9: {  	_ =	sfence  }
0xba: {  	s30 =	sld [smem:$0x0];
	_ =	sdelay $0x2  }
0xbb: {  	s31 =	sshll.u32 s1, $0xD;
	s1 =	sshrl.u32 s1, $0x2  }
0xbc: {  	s3 =	sand.u32 $0x4000, s31;
	s1 =	sadd.s32 s1, s30  }
0xbd: {  	s0 =	sor.u32 s3, s0;
	s1 =	sshll.u32 s1, $0x11  }
0xbe: {  	s0 =	sor.u32 s1, s0  }
0xbf: {  	s0 =	sadd.s32 $0x8F2B, s0  }
0xc0: {  	[sflag:s0] =	ssyncadd.remote.s32 $0x1  }
0xc1: {  	_ =	sfence.sel $0xFFFF  }
0xc2: {  	[dreg:$0x0] =	wrdreg $0xFFFFFFFF;
	(pc) =	sbr.abs _section_cstart, $3  }
0xc3: {  	[dreg:$0x1] =	wrdreg $0xFFFFFFFF  }
0xc4: {  	_ =	task.clear_ibuf [dreg:s8], $0x2FFFF;
	_ =	strace $0x9FFFFFFF  }
0xc5: {  	(tm) =	ssettm $0x7FFFFFFF  }
tec
execute0_lowered:
.L_overlay_start_1:
0x0: {  	(tag) =	ssettag $0x1  }
0x1: {  	s1 =	rddreg [dreg:$0x0]  }
0x2: {  	s0 =	rddreg [dreg:$0x1]  }
0x3: {  	s2 =	rddreg [dreg:$0x2]  }
0x4: {  	s3 =	rddreg [dreg:$0x3];
	s4 =	simm.s32 $0x0;
	s5 =	srdreg.scid  }
0x5: {  	s11 =	stileid.u32;
	s14 =	simm.s32 $0x28;
	s15 =	simm.s32 $0x4E20  }
0x6: {  	s16 =	simm.s32 $0x6220;
	s18 =	simm.s32 $0x7620;
	s20 =	simm.s32 $0x8A20  }
0x7: {  	s22 =	simm.s32 $0x9E20;
	s23 =	simm.s32 $0x1;
	s29 =	simm.s32 $0x7  }
0x8: {  	s31 =	simm.s32 $0x3;
	s19 =	simm.s32 $0x4;
	s30 =	simm.s32 $0x5  }
0x9: {  	s17 =	simm.s32 $0xA;
	s6 =	sand.u32 $0x1, s5;
	s8 =	smul.u32 $0x13C00, s11  }
0xa: {  	s24 =	sshll.u32 s11, $0x1;
	[smem:$0x7FF] =	sst s4;
	s25 =	sadd.s32 $0x2200, s2  }
0xb: {  	s28 =	sshll.u32 s11, $0x6;
	s11 =	simm.s32 $0x2710;
	s7 =	smul.u32 $0x13C000, s6  }
0xc: {  	s5 =	sor.u32 s6, s24;
	_ =	strace $0x80000047;
	[dreg:$0x5] =	wrdreg s25  }
0xd: {  	s6 =	ssub.s32 $0x2, s6;
	s12 =	sor.u32 $0x1C0B, s28;
	s24 =	simm.s32 $0x6  }
0xe: {  	s25 =	simm.s32 $0x9;
	s9 =	smul.u32 $0x2710, s5;
	s10 =	sshrl.u32 s6, $0x1  }
0xf: {  	s26 =	sadd.s32 s8, s3;
	s7 =	sadd.s32 s8, s7;
	s10 =	ssub.s32 s6, s10  }
0x10: {  	s13 =	sshrl.u32 s26, $0x3;
	s7 =	sshrl.u32 s7, $0x3;
	s9 =	sshrl.u32 s9, $0x3  }
0x11: {  	s26 =	simm.s32 $0x2;
	s2 =	sadd.s32 s7, s2;
	s6 =	sadd.s32 s0, s9  }
0x12: {  	s9 =	smax.u32 s10, $0x1;
	s10 =	simm.s32 $0xB;
	s0 =	simm.s32 $0x0  }
0x13: {  	s7 =	sadd.s32 $0x9C40, s6;
	s8 =	sadd.s32 $0x4A00, s2;
	s2 =	simm.s32 $0x8  }
.LBB2_1:
0x14: {  	[tilespmem:s4], [sflag:$0xB] =	stream.linear.gather [hbm4b:s6+s4], $0x2710, $0x38;
	[tilespmem:$0x1EE20] =	vst v63  }
0x15: {  	_ =	swait.ge [sflag:s10], $0x2710  }
0x16: {  	[sflag:s10] =	ssyncset.done $0x0  }
0x17: {  	[sflag:s10] =	ssyncadd.s32 $0xFFFFD8F0  }
0x18: {  	[tilespmem:s11], [sflag:$0xB] =	stream.linear.gather [hbm4b:s7+s4], $0x2710, $0x38;
	[tilespmem:$0x1EE20] =	vst v63  }
0x19: {  	_ =	swait.ge [sflag:s10], $0x2710  }
0x1a: {  	[sflag:s10] =	ssyncset.done $0x0  }
0x1b: {  	s5 =	rddreg [dreg:$0x5];
	[sflag:s10] =	ssyncadd.s32 $0xFFFFD8F0  }
0x1c: {  	[spmem:s13], [sflag:s12] =	dma.local [hbm:s5], $0x2780  }
0x1d: {  	_ =	swait.ge [sflag:s10], $0x2780  }
0x1e: {  	[sflag:s10] =	ssyncset.done $0x0  }
0x1f: {  	[sflag:s10] =	ssyncadd.s32 $0xFFFFD880  }
0x20: {  	[bflag:$0x0] =	sbarrier.arrive $0xFFFF  }
0x21: {  	[tilespmem:s15], [sflag:$0x1] =	stream.indirect.gather [hbm4b:s1+s14], $0x80, s4, s14, $0xb8;
	[tilespmem:$0x1EE20] =	vst v63  }
0x22: {  	_ = 	snop  }
0x23: {  	[tilespmem:s16], [sflag:$0x2] =	stream.indirect.gather [hbm4b:s1+s14], $0x80, s14, s14, $0xb8;
	[tilespmem:$0x1EE20] =	vst v63  }
0x24: {  	s21 =	simm.s32 $0x50  }
0x25: {  	[tilespmem:s18], [sflag:$0x3] =	stream.indirect.gather [hbm4b:s1+s14], $0x80, s21, s14, $0xb8;
	[tilespmem:$0x1EE20] =	vst v63  }
0x26: {  	s21 =	simm.s32 $0x78  }
0x27: {  	[tilespmem:s20], [sflag:$0x4] =	stream.indirect.gather [hbm4b:s1+s14], $0x80, s21, s14, $0xb8;
	[tilespmem:$0x1EE20] =	vst v63  }
0x28: {  	s21 =	simm.s32 $0xA0  }
0x29: {  	[tilespmem:s22], [sflag:$0x5] =	stream.indirect.gather [hbm4b:s1+s14], $0x80, s21, s14, $0xb8;
	[tilespmem:$0x1EE20] =	vst v63  }
0x2a: {  	_ =	swait.ge [sflag:s23], $0x1400  }
0x2b: {  	[sflag:s23] =	ssyncset.done $0x0  }
0x2c: {  	[sflag:s23] =	ssyncadd.s32 $0xFFFFEC00  }
0x2d: {  	[spmem:s3] =	stream.indirect.scatter.add.f32 [tilespmem:s15], [sflag:$0x6], $0x80, s11, s14, $0xb8;
	[tilespmem:$0x1EE20] =	vst v63  }
0x2e: {  	_ =	swait.ge [sflag:s24], $0x1400  }
0x2f: {  	[sflag:s24] =	ssyncset.done $0x0  }
0x30: {  	s21 =	simm.s32 $0xC8;
	[sflag:s24] =	ssyncadd.s32 $0xFFFFEC00  }
0x31: {  	[tilespmem:s15], [sflag:$0x1] =	stream.indirect.gather [hbm4b:s1+s14], $0x80, s21, s14, $0xb8;
	[tilespmem:$0x1EE20] =	vst v63  }
0x32: {  	_ =	swait.ge [sflag:s26], $0x1400  }
0x33: {  	[sflag:s26] =	ssyncset.done $0x0  }
0x34: {  	s21 =	simm.s32 $0x2738;
	[sflag:s26] =	ssyncadd.s32 $0xFFFFEC00  }
0x35: {  	[spmem:s3] =	stream.indirect.scatter.add.f32 [tilespmem:s16], [sflag:$0x7], $0x80, s21, s14, $0xb8;
	[tilespmem:$0x1EE20] =	vst v63  }
0x36: {  	_ =	swait.ge [sflag:s29], $0x1400  }
0x37: {  	[sflag:s29] =	ssyncset.done $0x0  }
0x38: {  	s21 =	simm.s32 $0xF0;
	[sflag:s29] =	ssyncadd.s32 $0xFFFFEC00  }
0x39: {  	[tilespmem:s16], [sflag:$0x2] =	stream.indirect.gather [hbm4b:s1+s14], $0x80, s21, s14, $0xb8;
	[tilespmem:$0x1EE20] =	vst v63  }
0x3a: {  	_ =	swait.ge [sflag:s31], $0x1400  }
0x3b: {  	[sflag:s31] =	ssyncset.done $0x0  }
0x3c: {  	s21 =	simm.s32 $0x2760;
	[sflag:s31] =	ssyncadd.s32 $0xFFFFEC00  }
0x3d: {  	[spmem:s3] =	stream.indirect.scatter.add.f32 [tilespmem:s18], [sflag:$0x8], $0x80, s21, s14, $0xb8;
	[tilespmem:$0x1EE20] =	vst v63  }
0x3e: {  	_ =	swait.ge [sflag:s2], $0x1400  }
0x3f: {  	[sflag:s2] =	ssyncset.done $0x0  }
0x40: {  	s21 =	simm.s32 $0x118;
	[sflag:s2] =	ssyncadd.s32 $0xFFFFEC00  }
0x41: {  	[tilespmem:s18], [sflag:$0x3] =	stream.indirect.gather [hbm4b:s1+s14], $0x80, s21, s14, $0xb8;
	[tilespmem:$0x1EE20] =	vst v63  }
0x42: {  	_ =	swait.ge [sflag:s19], $0x1400  }
0x43: {  	[sflag:s19] =	ssyncset.done $0x0  }
0x44: {  	s21 =	simm.s32 $0x2788;
	[sflag:s19] =	ssyncadd.s32 $0xFFFFEC00  }
0x45: {  	[spmem:s3] =	stream.indirect.scatter.add.f32 [tilespmem:s20], [sflag:$0x9], $0x80, s21, s14, $0xb8;
	[tilespmem:$0x1EE20] =	vst v63  }
0x46: {  	_ =	swait.ge [sflag:s25], $0x1400  }
0x47: {  	[sflag:s25] =	ssyncset.done $0x0  }
0x48: {  	s21 =	simm.s32 $0x140;
	[sflag:s25] =	ssyncadd.s32 $0xFFFFEC00  }
0x49: {  	[tilespmem:s20], [sflag:$0x4] =	stream.indirect.gather [hbm4b:s1+s14], $0x80, s21, s14, $0xb8;
	[tilespmem:$0x1EE20] =	vst v63  }
0x4a: {  	_ =	swait.ge [sflag:s30], $0x1400  }
0x4b: {  	[sflag:s30] =	ssyncset.done $0x0  }
0x4c: {  	s21 =	simm.s32 $0x27B0;
	[sflag:s30] =	ssyncadd.s32 $0xFFFFEC00  }
0x4d: {  	[spmem:s3] =	stream.indirect.scatter.add.f32 [tilespmem:s22], [sflag:$0xA], $0x80, s21, s14, $0xb8;
	[tilespmem:$0x1EE20] =	vst v63  }
0x4e: {  	_ =	swait.ge [sflag:s17], $0x1400  }
0x4f: {  	[sflag:s17] =	ssyncset.done $0x0  }
0x50: {  	s21 =	simm.s32 $0x168;
	[sflag:s17] =	ssyncadd.s32 $0xFFFFEC00  }
0x51: {  	[tilespmem:s22], [sflag:$0x5] =	stream.indirect.gather [hbm4b:s1+s14], $0x80, s21, s14, $0xb8;
	[tilespmem:$0x1EE20] =	vst v63  }
0x52: {  	_ =	swait.ge [sflag:s23], $0x1400  }
0x53: {  	[sflag:s23] =	ssyncset.done $0x0  }
0x54: {  	s5 =	simm.s32 $0x27D8;
	[sflag:s23] =	ssyncadd.s32 $0xFFFFEC00  }
0x55: {  	[spmem:s3] =	stream.indirect.scatter.add.f32 [tilespmem:s15], [sflag:$0x6], $0x80, s5, s14, $0xb8;
	[tilespmem:$0x1EE20] =	vst v63  }
0x56: {  	_ =	swait.ge [sflag:s24], $0x1400  }
0x57: {  	[sflag:s24] =	ssyncset.done $0x0  }
0x58: {  	s5 =	simm.s32 $0x190;
	[sflag:s24] =	ssyncadd.s32 $0xFFFFEC00  }
0x59: {  	[tilespmem:s15], [sflag:$0x1] =	stream.indirect.gather [hbm4b:s1+s14], $0x80, s5, s14, $0xb8;
	[tilespmem:$0x1EE20] =	vst v63  }
0x5a: {  	_ =	swait.ge [sflag:s26], $0x1400  }
0x5b: {  	[sflag:s26] =	ssyncset.done $0x0  }
0x5c: {  	s5 =	simm.s32 $0x2800;
	[sflag:s26] =	ssyncadd.s32 $0xFFFFEC00  }
0x5d: {  	[spmem:s3] =	stream.indirect.scatter.add.f32 [tilespmem:s16], [sflag:$0x7], $0x80, s5, s14, $0xb8;
	[tilespmem:$0x1EE20] =	vst v63  }
0x5e: {  	_ =	swait.ge [sflag:s29], $0x1400  }
0x5f: {  	[sflag:s29] =	ssyncset.done $0x0  }
0x60: {  	s5 =	simm.s32 $0x1B8;
	[sflag:s29] =	ssyncadd.s32 $0xFFFFEC00  }
0x61: {  	[tilespmem:s16], [sflag:$0x2] =	stream.indirect.gather [hbm4b:s1+s14], $0x80, s5, s14, $0xb8;
	[tilespmem:$0x1EE20] =	vst v63  }
0x62: {  	_ =	swait.ge [sflag:s31], $0x1400  }
0x63: {  	[sflag:s31] =	ssyncset.done $0x0  }
0x64: {  	s5 =	simm.s32 $0x2828;
	[sflag:s31] =	ssyncadd.s32 $0xFFFFEC00  }
0x65: {  	[spmem:s3] =	stream.indirect.scatter.add.f32 [tilespmem:s18], [sflag:$0x8], $0x80, s5, s14, $0xb8;
	[tilespmem:$0x1EE20] =	vst v63  }
0x66: {  	_ =	swait.ge [sflag:s2], $0x1400  }
0x67: {  	[sflag:s2] =	ssyncset.done $0x0  }
0x68: {  	s5 =	simm.s32 $0x1E0;
	[sflag:s2] =	ssyncadd.s32 $0xFFFFEC00  }
0x69: {  	[tilespmem:s18], [sflag:$0x3] =	stream.indirect.gather [hbm4b:s1+s14], $0x80, s5, s14, $0xb8;
	[tilespmem:$0x1EE20] =	vst v63  }
0x6a: {  	_ =	swait.ge [sflag:s19], $0x1400  }
0x6b: {  	[sflag:s19] =	ssyncset.done $0x0  }
0x6c: {  	s5 =	simm.s32 $0x2850;
	[sflag:s19] =	ssyncadd.s32 $0xFFFFEC00  }
0x6d: {  	[spmem:s3] =	stream.indirect.scatter.add.f32 [tilespmem:s20], [sflag:$0x9], $0x80, s5, s14, $0xb8;
	[tilespmem:$0x1EE20] =	vst v63  }
0x6e: {  	_ =	swait.ge [sflag:s25], $0x1400  }
0x6f: {  	[sflag:s25] =	ssyncset.done $0x0  }
0x70: {  	s5 =	simm.s32 $0x208;
	[sflag:s25] =	ssyncadd.s32 $0xFFFFEC00  }
0x71: {  	[tilespmem:s20], [sflag:$0x4] =	stream.indirect.gather [hbm4b:s1+s14], $0x80, s5, s14, $0xb8;
	[tilespmem:$0x1EE20] =	vst v63  }
0x72: {  	_ =	swait.ge [sflag:s30], $0x1400  }
0x73: {  	[sflag:s30] =	ssyncset.done $0x0  }
0x74: {  	s28 =	simm.s32 $0x2878;
	s21 =	simm.s32 $0x320;
	[sflag:s30] =	ssyncadd.s32 $0xFFFFEC00  }
.LBB2_2:
0x75: {  	[spmem:s3] =	stream.indirect.scatter.add.f32 [tilespmem:s22], [sflag:$0xA], $0x80, s28, s14, $0xb8;
	[tilespmem:$0x1EE20] =	vst v63  }
0x76: {  	s28 =	smov.u32 s21;
	s21 =	sadd.s32 $0x320, s21;
	_ =	swait.ge [sflag:s17], $0x1400  }
0x77: {  	s28 =	sshra.s32 s28, $0x2;
	p0 =	sne.s32 s21, $0x9600;
	[sflag:s17] =	ssyncset.done $0x0  }
0x78: {  	s5 =	sadd.s32 $0x168, s28;
	[sflag:s17] =	ssyncadd.s32 $0xFFFFEC00  }
0x79: {  	[tilespmem:s22], [sflag:$0x5] =	stream.indirect.gather [hbm4b:s1+s14], $0x80, s5, s14, $0xb8;
	[tilespmem:$0x1EE20] =	vst v63  }
0x7a: {  	_ =	swait.ge [sflag:s23], $0x1400  }
0x7b: {  	[sflag:s23] =	ssyncset.done $0x0  }
0x7c: {  	s5 =	sadd.s32 $0x27D8, s28;
	[sflag:s23] =	ssyncadd.s32 $0xFFFFEC00  }
0x7d: {  	[spmem:s3] =	stream.indirect.scatter.add.f32 [tilespmem:s15], [sflag:$0x6], $0x80, s5, s14, $0xb8;
	[tilespmem:$0x1EE20] =	vst v63  }
0x7e: {  	_ =	swait.ge [sflag:s24], $0x1400  }
0x7f: {  	[sflag:s24] =	ssyncset.done $0x0  }
0x80: {  	s5 =	sadd.s32 $0x190, s28;
	[sflag:s24] =	ssyncadd.s32 $0xFFFFEC00  }
0x81: {  	[tilespmem:s15], [sflag:$0x1] =	stream.indirect.gather [hbm4b:s1+s14], $0x80, s5, s14, $0xb8;
	[tilespmem:$0x1EE20] =	vst v63  }
0x82: {  	_ =	swait.ge [sflag:s26], $0x1400  }
0x83: {  	[sflag:s26] =	ssyncset.done $0x0  }
0x84: {  	s5 =	sadd.s32 $0x2800, s28;
	[sflag:s26] =	ssyncadd.s32 $0xFFFFEC00  }
0x85: {  	[spmem:s3] =	stream.indirect.scatter.add.f32 [tilespmem:s16], [sflag:$0x7], $0x80, s5, s14, $0xb8;
	[tilespmem:$0x1EE20] =	vst v63  }
0x86: {  	_ =	swait.ge [sflag:s29], $0x1400  }
0x87: {  	[sflag:s29] =	ssyncset.done $0x0  }
0x88: {  	s5 =	sadd.s32 $0x1B8, s28;
	[sflag:s29] =	ssyncadd.s32 $0xFFFFEC00  }
0x89: {  	[tilespmem:s16], [sflag:$0x2] =	stream.indirect.gather [hbm4b:s1+s14], $0x80, s5, s14, $0xb8;
	[tilespmem:$0x1EE20] =	vst v63  }
0x8a: {  	_ =	swait.ge [sflag:s31], $0x1400  }
0x8b: {  	[sflag:s31] =	ssyncset.done $0x0  }
0x8c: {  	s5 =	sadd.s32 $0x2828, s28;
	[sflag:s31] =	ssyncadd.s32 $0xFFFFEC00  }
0x8d: {  	[spmem:s3] =	stream.indirect.scatter.add.f32 [tilespmem:s18], [sflag:$0x8], $0x80, s5, s14, $0xb8;
	[tilespmem:$0x1EE20] =	vst v63  }
0x8e: {  	_ =	swait.ge [sflag:s2], $0x1400  }
0x8f: {  	[sflag:s2] =	ssyncset.done $0x0  }
0x90: {  	s5 =	sadd.s32 $0x1E0, s28;
	[sflag:s2] =	ssyncadd.s32 $0xFFFFEC00  }
0x91: {  	[tilespmem:s18], [sflag:$0x3] =	stream.indirect.gather [hbm4b:s1+s14], $0x80, s5, s14, $0xb8;
	[tilespmem:$0x1EE20] =	vst v63  }
0x92: {  	_ =	swait.ge [sflag:s19], $0x1400  }
0x93: {  	[sflag:s19] =	ssyncset.done $0x0  }
0x94: {  	s5 =	sadd.s32 $0x2850, s28;
	[sflag:s19] =	ssyncadd.s32 $0xFFFFEC00  }
0x95: {  	[spmem:s3] =	stream.indirect.scatter.add.f32 [tilespmem:s20], [sflag:$0x9], $0x80, s5, s14, $0xb8;
	[tilespmem:$0x1EE20] =	vst v63  }
0x96: {  	_ =	swait.ge [sflag:s25], $0x1400  }
0x97: {  	[sflag:s25] =	ssyncset.done $0x0  }
.Ltmp0:
0x98: {  	s5 =	sadd.s32 $0x208, s28;
	[sflag:s25] =	ssyncadd.s32 $0xFFFFEC00;
	(pc) =	sbr.rel @p0 .LBB2_2-.Ltmp0, $4  }
0x99: {  	[tilespmem:s20], [sflag:$0x4] =	stream.indirect.gather [hbm4b:s1+s14], $0x80, s5, s14, $0xb8;
	[tilespmem:$0x1EE20] =	vst v63  }
0x9a: {  	_ =	swait.ge [sflag:s30], $0x1400  }
0x9b: {  	[sflag:s30] =	ssyncset.done $0x0  }
0x9c: {  	s28 =	sadd.s32 $0x2878, s28;
	[sflag:s30] =	ssyncadd.s32 $0xFFFFEC00  }
0x9d: {  	[spmem:s3] =	stream.indirect.scatter.add.f32 [tilespmem:s22], [sflag:$0xA], $0x80, s28, s14, $0xb8;
	[tilespmem:$0x1EE20] =	vst v63  }
0x9e: {  	_ =	swait.ge [sflag:s17], $0x1400  }
0x9f: {  	[sflag:s17] =	ssyncset.done $0x0  }
0xa0: {  	s5 =	simm.s32 $0x26E8;
	[sflag:s17] =	ssyncadd.s32 $0xFFFFEC00  }
0xa1: {  	[tilespmem:s22], [sflag:$0x5] =	stream.indirect.gather [hbm4b:s1+s14], $0x80, s5, s14, $0xb8;
	[tilespmem:$0x1EE20] =	vst v63  }
0xa2: {  	_ =	swait.ge [sflag:s23], $0x1400  }
0xa3: {  	s5 =	sshra.s32 s21, $0x2;
	[sflag:s23] =	ssyncset.done $0x0  }
0xa4: {  	s21 =	sadd.s32 $0x27D8, s5;
	[sflag:s23] =	ssyncadd.s32 $0xFFFFEC00  }
0xa5: {  	[spmem:s3] =	stream.indirect.scatter.add.f32 [tilespmem:s15], [sflag:$0x6], $0x80, s21, s14, $0xb8;
	[tilespmem:$0x1EE20] =	vst v63  }
0xa6: {  	_ =	swait.ge [sflag:s26], $0x1400  }
0xa7: {  	[sflag:s26] =	ssyncset.done $0x0  }
0xa8: {  	s28 =	sadd.s32 $0x2800, s5;
	[sflag:s26] =	ssyncadd.s32 $0xFFFFEC00  }
0xa9: {  	[spmem:s3] =	stream.indirect.scatter.add.f32 [tilespmem:s16], [sflag:$0x7], $0x80, s28, s14, $0xb8;
	[tilespmem:$0x1EE20] =	vst v63  }
0xaa: {  	_ =	swait.ge [sflag:s31], $0x1400  }
0xab: {  	[sflag:s31] =	ssyncset.done $0x0  }
0xac: {  	s28 =	sadd.s32 $0x2828, s5;
	[sflag:s31] =	ssyncadd.s32 $0xFFFFEC00  }
0xad: {  	[spmem:s3] =	stream.indirect.scatter.add.f32 [tilespmem:s18], [sflag:$0x8], $0x80, s28, s14, $0xb8;
	[tilespmem:$0x1EE20] =	vst v63  }
0xae: {  	_ =	swait.ge [sflag:s19], $0x1400  }
0xaf: {  	[sflag:s19] =	ssyncset.done $0x0  }
0xb0: {  	s5 =	sadd.s32 $0x2850, s5;
	[sflag:s19] =	ssyncadd.s32 $0xFFFFEC00  }
0xb1: {  	[spmem:s3] =	stream.indirect.scatter.add.f32 [tilespmem:s20], [sflag:$0x9], $0x80, s5, s14, $0xb8;
	[tilespmem:$0x1EE20] =	vst v63  }
0xb2: {  	_ =	swait.ge [sflag:s30], $0x1400  }
0xb3: {  	[sflag:s30] =	ssyncset.done $0x0  }
0xb4: {  	s28 =	simm.s32 $0x4DF8;
	[sflag:s30] =	ssyncadd.s32 $0xFFFFEC00  }
0xb5: {  	[spmem:s3] =	stream.indirect.scatter.add.f32 [tilespmem:s22], [sflag:$0xA], $0x80, s28, s14, $0xb8;
	[tilespmem:$0x1EE20] =	vst v63  }
0xb6: {  	_ =	swait.ge [sflag:s24], $0x1400  }
0xb7: {  	[sflag:s24] =	ssyncset.done $0x0  }
0xb8: {  	[sflag:s24] =	ssyncadd.s32 $0xFFFFEC00  }
0xb9: {  	_ =	swait.ge [sflag:s29], $0x1400  }
0xba: {  	[sflag:s29] =	ssyncset.done $0x0  }
0xbb: {  	[sflag:s29] =	ssyncadd.s32 $0xFFFFEC00  }
0xbc: {  	_ =	swait.ge [sflag:s2], $0x1400  }
0xbd: {  	[sflag:s2] =	ssyncset.done $0x0  }
0xbe: {  	[sflag:s2] =	ssyncadd.s32 $0xFFFFEC00  }
0xbf: {  	_ =	swait.ge [sflag:s25], $0x1400  }
0xc0: {  	[sflag:s25] =	ssyncset.done $0x0  }
0xc1: {  	[sflag:s25] =	ssyncadd.s32 $0xFFFFEC00  }
0xc2: {  	_ =	swait.ge [sflag:s17], $0x1400  }
0xc3: {  	s0 =	sadd.s32 $0x1, s0;
	[sflag:s17] =	ssyncset.done $0x0  }
0xc4: {  	p0 =	sne.s32 s0, s9;
	[sflag:s17] =	ssyncadd.s32 $0xFFFFEC00  }
.Ltmp1:
0xc5: {  	[bflag:$0x0] =	sbarrier.arrive $0xFFFF;
	(pc) =	sbr.rel @p0 .LBB2_1-.Ltmp1, $4  }
0xc6: {  	[hbm:s8], [sflag:s12] =	dma.local [spmem:s13], $0x2780  }
0xc7: {  	_ =	swait.ge [sflag:s10], $0x2780  }
0xc8: {  	[sflag:s10] =	ssyncset.done $0x0  }
0xc9: {  	[sflag:s10] =	ssyncadd.s32 $0xFFFFD880  }
0xca: {  	_ =	sfence.sel $0x180000  }
0xcb: {  	[bflag:$0x0] =	sbarrier.arrive $0xFFFF  }
0xcc: {  	_ =	strace $0x90000047  }
0xcd: {  	s0 =	stileid.u32;
	[bflag:$0x2] =	sbarrier.arrive $0xFFFF  }
0xce: {  	p0 =	sne.s32 s0, $0x0;
	s0 =	rddreg [dreg:$0x4]  }
0xcf: {  	s0 =	sadd.s32 @!p0 $0x100000, s0  }
0xd0: {  	[sflag:s0] =	ssyncadd.tile.s32 @!p0 $0x1;
	_ =	shalt  }
.Lfunc_end2:
_tile_overlayer_lowered:
.L_overlay_start_2:
0xd1: {  	(tag) =	ssettag $0x2  }
0xd2: {  	s0 =	rddreg [dreg:$0x0];
	s2 =	stileid.u32  }
0xd3: {  	s1 =	rddreg [dreg:$0x1];
	p0 =	sne.s32 s2, $0x0  }
0xd4: {  	s3 =	rddreg [dreg:$0x2];
	[bflag:$0x3] =	sbarrier.arrive $0xFFFF;
	s2 =	simm.s32 @!p0 $0x1C0B  }
0xd5: {  	[timem:s3], [sflag:s2] =	dma.local @!p0 [hbm:s0], s1  }
0xd6: {  	s0 =	simm.s32 @!p0 $0xB  }
0xd7: {  	_ =	swait.ge @!p0 [sflag:s0], s1  }
0xd8: {  	s1 =	ssub.s32 @!p0 $0x0, s1;
	[sflag:s0] =	ssyncset.done @!p0 $0x0  }
0xd9: {  	[sflag:s0] =	ssyncadd.s32 @!p0 s1  }
0xda: {  	[bflag:$0x3] =	sbarrier.arrive $0xFFFF  }
0xdb: {  	_ =	shalt  }

// kernel: kernel.9.cloned.1.call-start
scs
__scs_entry_jumppad:
0x0: {  	(pc) =	sbr.rel $0x88, $3  }
0x1: {  	(tag) =	ssettag $0x0;
	lr =	simm.s32 $0x1  }
0x2: {  	[smem:$0x3F97] =	sst lr;
	_ =	strace $0xD0000000  }
0x3: {  	_ = 	snop  }
0x4: {  	_ = 	snop  }
0x5: {  	_ = 	snop  }
0x6: {  	_ = 	snop  }
0x7: {  	_ = 	snop  }
__scs_overlays_trampoline_lowered:
0x8: {  	[smem:$0x3FA6] =	sst s0  }
0x9: {  	[smem:$0x3FA7] =	sst s1  }
0xa: {  	[smem:$0x3FA8] =	sst s2  }
0xb: {  	[smem:$0x3FA9] =	sst s3  }
0xc: {  	[smem:$0x3FAA] =	sst s4  }
0xd: {  	[smem:$0x3FAB] =	sst s5  }
0xe: {  	[smem:$0x3FAC] =	sst s6  }
0xf: {  	[smem:$0x3FAD] =	sst s7  }
0x10: {  	[smem:$0x3FAE] =	sst s8  }
0x11: {  	[smem:$0x3FAF] =	sst s9;
	s0 =	simm.s32 @!p0 $0x0  }
0x12: {  	s1 =	sld [smem:$0x3F95];
	s0 =	simm.s32 @p0 $0x1  }
0x13: {  	[smem:$0x3FB0] =	sst s0;
	s0 =	simm.s32 @!p1 $0x0  }
0x14: {  	s2 =	sld [smem:$0x3F94];
	s0 =	simm.s32 @p1 $0x1  }
0x15: {  	[smem:$0x3FB1] =	sst s0;
	s0 =	simm.s32 @!p2 $0x0  }
0x16: {  	s3 =	sld [smem:$0x3FDB];
	s0 =	simm.s32 @p2 $0x1  }
0x17: {  	s4 =	simm.s32 $0x1BF5;
	[smem:$0x3FB3] =	sst s0  }
0x18: {  	s0 =	sld [smem:$0x3F96];
	_ =	swait.ge [sflag:s4], $0x0  }
0x19: {  	s7 =	sld [smem:$0x3F97]  }
0x1a: {  	s8 =	sadd.s32 $0xFFFFE003, lr  }
0x1b: {  	s9 =	sadd.s32 $0xFFFFFEF7, lr;
	s5 =	simm.s32 $0xFFFFFFFF;
	p2 =	slt.u32 s8, $0xFFFFF086  }
0x1c: {  	p1 =	slt.u32 s9, $0xF7A;
	s5 =	simm.s32 @!p2 $0x0  }
0x1d: {  	s5 =	simm.s32 @p1 $0x1;
	p0 =	seq.s32 s7, s2  }
0x1e: {  	s7 =	smul.u32 @!p0 $0xF7A, s2;
	p2 =	seq.s32 @!p0 s5, $0x0  }
0x1f: {  	s9 =	smul.u32 $0xF7A, s1;
	s8 =	simm.s32 @!p0 $0x1BF5;
	p2 =	por !p2, p0  }
0x20: {  	[sflag:s8] =	ssyncset.s32 @!p0 $0xFFFFF086;
	s6 =	sadd.s32 @!p0 s3, s7;
	s7 =	simm.s32 @!p0 $0x108  }
0x21: {  	s3 =	sadd.s32 s3, s9;
	s6 =	sadd.s32 @!p0 $0x88, s6;
	s7 =	simm.s32 @p2 $0x1082  }
0x22: {  	[simem:s7], [sflag:s8] =	dma.local @!p0 [hbm:s6], $0xF7A  }
0x23: {  	s9 =	sor.u32 $0xD0000000, s2;
	s6 =	simm.s32 $0x108;
	_ =	swait.ge @!p0 [sflag:s8], $0x0  }
0x24: {  	s3 =	sadd.s32 $0x88, s3;
	s6 =	simm.s32 @!p1 $0x1082;
	[sflag:s4] =	ssyncset.s32 $0xFFFFF086  }
0x25: {  	[simem:s6], [sflag:s4] =	dma.local [hbm:s3], $0xF7A  }
0x26: {  	[smem:$0x3F97] =	sst s1;
	(tag) =	ssettag s2;
	_ =	strace s9  }
0x27: {  	s1 =	sld [smem:$0x3FA7]  }
0x28: {  	s2 =	sld [smem:$0x3FA8]  }
0x29: {  	s4 =	sld [smem:$0x3FAA]  }
0x2a: {  	p0 =	seq.s32 s5, $0x0;
	s5 =	sld [smem:$0x3FAB]  }
0x2b: {  	s6 =	sld [smem:$0x3FAC]  }
0x2c: {  	s7 =	sld [smem:$0x3FAD]  }
0x2d: {  	s3 =	simm.s32 $0x108;
	s8 =	sld [smem:$0x3FAE]  }
0x2e: {  	s3 =	simm.s32 @!p0 $0x1082;
	s9 =	sld [smem:$0x3FAF]  }
0x2f: {  	lr =	sadd.s32 s0, s3;
	s0 =	sld [smem:$0x3FA6]  }
0x30: {  	s3 =	sld [smem:$0x3FA9]  }
0x31: {  	[smem:$0x3FB2] =	sst s10  }
0x32: {  	s10 =	sld [smem:$0x3FB0];
	_ =	sdelay $0x3  }
0x33: {  	p0 =	seq.s32 s10, $0x1;
	s10 =	sld [smem:$0x3FB2];
	_ =	sdelay $0x3  }
0x34: {  	[smem:$0x3FB2] =	sst s10  }
0x35: {  	s10 =	sld [smem:$0x3FB1];
	_ =	sdelay $0x3  }
0x36: {  	p1 =	seq.s32 s10, $0x1;
	s10 =	sld [smem:$0x3FB2];
	_ =	sdelay $0x3  }
0x37: {  	[smem:$0x3FB2] =	sst s10  }
0x38: {  	s10 =	sld [smem:$0x3FB3]  }
0x39: {  	_ = 	snop;
	(pc) =	sbr.ind lr, $3  }
0x3a: {  	_ = 	snop  }
0x3b: {  	_ = 	snop  }
0x3c: {  	p2 =	seq.s32 s10, $0x1;
	s10 =	sld [smem:$0x3FB2]  }
0x3d: {  	_ =	shalt  }
0x3e: {  	_ =	shalt  }
0x3f: {  	_ =	shalt  }
0x40: {  	_ =	shalt  }
0x41: {  	_ =	shalt  }
0x42: {  	_ =	shalt  }
0x43: {  	_ =	shalt  }
0x44: {  	_ =	shalt  }
0x45: {  	_ =	shalt  }
0x46: {  	_ =	shalt  }
0x47: {  	_ =	shalt  }
0x48: {  	_ =	shalt  }
0x49: {  	_ =	shalt  }
0x4a: {  	_ =	shalt  }
0x4b: {  	_ =	shalt  }
0x4c: {  	_ =	shalt  }
0x4d: {  	_ =	shalt  }
0x4e: {  	_ =	shalt  }
0x4f: {  	_ =	shalt  }
0x50: {  	_ =	shalt  }
0x51: {  	_ =	shalt  }
0x52: {  	_ =	shalt  }
0x53: {  	_ =	shalt  }
0x54: {  	_ =	shalt  }
0x55: {  	_ =	shalt  }
0x56: {  	_ =	shalt  }
0x57: {  	_ =	shalt  }
0x58: {  	_ =	shalt  }
0x59: {  	_ =	shalt  }
0x5a: {  	_ =	shalt  }
0x5b: {  	_ =	shalt  }
0x5c: {  	_ =	shalt  }
0x5d: {  	_ =	shalt  }
0x5e: {  	_ =	shalt  }
0x5f: {  	_ =	shalt  }
0x60: {  	_ =	shalt  }
0x61: {  	_ =	shalt  }
0x62: {  	_ =	shalt  }
0x63: {  	_ =	shalt  }
0x64: {  	_ =	shalt  }
0x65: {  	_ =	shalt  }
0x66: {  	_ =	shalt  }
0x67: {  	_ =	shalt  }
0x68: {  	_ =	shalt  }
0x69: {  	_ =	shalt  }
0x6a: {  	_ =	shalt  }
0x6b: {  	_ =	shalt  }
0x6c: {  	_ =	shalt  }
0x6d: {  	_ =	shalt  }
0x6e: {  	_ =	shalt  }
0x6f: {  	_ =	shalt  }
0x70: {  	_ =	shalt  }
0x71: {  	_ =	shalt  }
0x72: {  	_ =	shalt  }
0x73: {  	_ =	shalt  }
0x74: {  	_ =	shalt  }
0x75: {  	_ =	shalt  }
0x76: {  	_ =	shalt  }
0x77: {  	_ =	shalt  }
0x78: {  	_ =	shalt  }
0x79: {  	_ =	shalt  }
0x7a: {  	_ =	shalt  }
0x7b: {  	_ =	shalt  }
0x7c: {  	_ =	shalt  }
0x7d: {  	_ =	shalt  }
0x7e: {  	_ =	shalt  }
0x7f: {  	_ =	shalt  }
0x80: {  	_ =	shalt  }
0x81: {  	_ =	shalt  }
0x82: {  	_ =	shalt  }
0x83: {  	_ =	shalt  }
0x84: {  	_ =	shalt  }
0x85: {  	_ =	shalt  }
0x86: {  	_ =	shalt  }
0x87: {  	_ =	shalt  }
.Lfunc_end0:
.L_simem_size_0:
called_computation.1_lowered:
.L_overlay_start_0:
0x88: {  	s2 =	sld [smem:$0x3FD9]  }
0x89: {  	s3 =	sld [smem:$0x3FFE];
	_ =	sdelay $0x1  }
0x8a: {  	s1 =	srdreg.scid  }
0x8b: {  	s0 =	sand.u32 $0x1, s1  }
0x8c: {  	s17 =	sshll.u32 s0, $0xA;
	s2 =	sadd.s32 s3, s2  }
0x8d: {  	s2 =	sadd.s32 s2, s17  }
0x8e: {  	[smem:$0x3FBE] =	sst s2  }
0x8f: {  	_ = 	snop  }
0x90: {  	s2 =	sld [smem:$0x3FD0];
	(tm) =	ssettm $0x1  }
0x91: {  	s18 =	sld [smem:$0x3FFB];
	_ =	sdelay $0x3  }
0x92: {  	_ =	strace s18  }
0x93: {  	s3 =	sld [smem:$0x3FFC];
	_ =	sdelay $0x3  }
0x94: {  	_ =	strace s3  }
0x95: {  	s3 =	sld [smem:$0x3FFD];
	_ =	sdelay $0x3  }
0x96: {  	_ =	strace s3  }
0x97: {  	_ =	strace $0x8FFFFFFF  }
0x98: {  	s19 =	sld [smem:$0x3FDB];
	_ =	sdelay $0x1  }
0x99: {  	s4 =	simm.s32 $_scs_section_size  }
0x9a: {  	s5 =	simm.s32 $_size__tile_overlayer_lowered;
	s6 =	simm.s32 $_tile_overlayer_lowered  }
0x9b: {  	s22 =	simm.s32 $0x1BFF;
	s21 =	sshll.u32 s6, $0x1;
	s3 =	sadd.s32 s4, s19  }
0x9c: {  	s7 =	simm.s32 $0x0;
	s20 =	sshll.u32 s5, $0x1;
	s5 =	sadd.s32 s21, s3  }
0x9d: {  	[timem:s7], [sflag:s22] =	dma.local [hbm:s5], s20  }
0x9e: {  	_ =	swait.ge [sflag:s22], s20  }
0x9f: {  	s4 =	ssub.s32 $0x0, s20;
	[sflag:s22] =	ssyncset.done $0x0  }
0xa0: {  	[sflag:s22] =	ssyncadd.s32 s4;
	_ =	sdelay $0x1  }
0xa1: {  	s23 =	simm.s32 $0x1B8B  }
0xa2: {  	_ =	swait.ge [sflag:s23], $0x1  }
0xa3: {  	[sflag:s23] =	ssyncset.done $0x0  }
0xa4: {  	s25 =	simm.s32 $0x1B8E;
	s24 =	sld [smem:$0x3FFE];
	[sflag:s23] =	ssyncadd.s32 $0xFFFFFFFF  }
0xa5: {  	s26 =	simm.s32 $execute0_lowered;
	[smem:$0x3FD2] =	sst s25  }
0xa6: {  	s5 =	sshll.u32 s26, $0x1;
	_ =	strace $0x80000049;
	[dreg:$0x1] =	wrdreg $0xFFFFFFFF  }
0xa7: {  	s28 =	simm.s32 $_size_execute0_lowered;
	s3 =	sadd.s32 s3, s5;
	[dreg:$0x0] =	wrdreg $0x0  }
0xa8: {  	s5 =	sshll.u32 s28, $0x1;
	[dreg:$0x2] =	wrdreg s3  }
0xa9: {  	[dreg:$0x3] =	wrdreg s5  }
0xaa: {  	[dreg:$0x4] =	wrdreg $0xC0  }
0xab: {  	_ =	task [dreg:s7], $0x5FFFF  }
0xac: {  	[dreg:$0x1] =	wrdreg $0xFFFFFFFF  }
0xad: {  	[dreg:$0x0] =	wrdreg $0x60  }
0xae: {  	[dreg:$0x2] =	wrdreg s24  }
0xaf: {  	[dreg:$0x3] =	wrdreg s2  }
0xb0: {  	[dreg:$0x4] =	wrdreg $0xB2200  }
0xb1: {  	[dreg:$0x5] =	wrdreg $0x9  }
0xb2: {  	_ =	task.clear_ibuf [dreg:s7], $0x6FFFF;
	_ =	strace $0x90000049  }
0xb3: {  	s29 =	simm.s32 $0x9;
	_ =	strace $0x8000004B  }
0xb4: {  	_ =	swait.ge [sflag:s29], $0x1  }
0xb5: {  	[sflag:s29] =	ssyncadd.s32 $0xFFFFFFFF  }
0xb6: {  	_ =	strace $0x9000004B  }
0xb7: {  	_ =	sfence  }
0xb8: {  	s30 =	sld [smem:$0x0];
	_ =	sdelay $0x2  }
0xb9: {  	s31 =	sshll.u32 s1, $0xD;
	s1 =	sshrl.u32 s1, $0x2  }
0xba: {  	s3 =	sand.u32 $0x4000, s31;
	s1 =	sadd.s32 s1, s30  }
0xbb: {  	s0 =	sor.u32 s3, s0;
	s1 =	sshll.u32 s1, $0x11  }
0xbc: {  	s0 =	sor.u32 s1, s0  }
0xbd: {  	s0 =	sadd.s32 $0x8F2B, s0  }
0xbe: {  	[sflag:s0] =	ssyncadd.remote.s32 $0x1  }
0xbf: {  	_ =	sfence.sel $0xFFFF  }
0xc0: {  	[dreg:$0x0] =	wrdreg $0xFFFFFFFF;
	(pc) =	sbr.abs _section_cstart, $3  }
0xc1: {  	[dreg:$0x1] =	wrdreg $0xFFFFFFFF  }
0xc2: {  	_ =	task.clear_ibuf [dreg:s7], $0x2FFFF;
	_ =	strace $0x9FFFFFFF  }
0xc3: {  	(tm) =	ssettm $0x7FFFFFFF  }
tec
execute0_lowered:
.L_overlay_start_1:
0x0: {  	(tag) =	ssettag $0x1  }
0x1: {  	s0 =	rddreg [dreg:$0x0]  }
0x2: {  	s1 =	rddreg [dreg:$0x1]  }
0x3: {  	s2 =	rddreg [dreg:$0x2]  }
0x4: {  	s3 =	srdreg.scid;
	s5 =	stileid.u32;
	s11 =	simm.s32 $0x2710  }
0x5: {  	s14 =	simm.s32 $0x50;
	s15 =	simm.s32 $0x4E20;
	s16 =	simm.s32 $0x6220  }
0x6: {  	s18 =	simm.s32 $0x7620;
	s20 =	simm.s32 $0x8A20;
	s22 =	simm.s32 $0x9E20  }
0x7: {  	s29 =	simm.s32 $0x7;
	s31 =	simm.s32 $0x3;
	s19 =	simm.s32 $0x4  }
0x8: {  	s30 =	simm.s32 $0x5;
	s17 =	simm.s32 $0xA;
	s21 =	simm.s32 $0x0  }
0x9: {  	s6 =	sand.u32 $0x1, s3;
	s8 =	smul.u32 $0x9E00, s5;
	s4 =	sshll.u32 s5, $0x1  }
0xa: {  	s3 =	simm.s32 $0x0;
	s10 =	sadd.s32 $0x15C00, s0;
	s28 =	sshll.u32 s5, $0x6  }
0xb: {  	s7 =	smul.u32 $0x9E000, s6;
	s4 =	sor.u32 s6, s4;
	[smem:$0x7FF] =	sst s3  }
0xc: {  	s23 =	ssub.s32 $0x2, s6;
	s12 =	sor.u32 $0x1C0B, s28;
	s9 =	smul.u32 $0x2710, s4  }
0xd: {  	_ =	strace $0x8000004A;
	s4 =	sadd.s32 $0x2200, s0;
	[dreg:$0x4] =	wrdreg s10  }
0xe: {  	s25 =	sshrl.u32 s23, $0x1;
	s13 =	sadd.s32 s8, s2;
	s10 =	simm.s32 $0xB  }
0xf: {  	s7 =	sadd.s32 s8, s7;
	s26 =	ssub.s32 s23, s25;
	s13 =	sshrl.u32 s13, $0x3  }
0x10: {  	s23 =	simm.s32 $0x1;
	s25 =	simm.s32 $0x9;
	s24 =	sshrl.u32 s9, $0x3  }
0x11: {  	s7 =	sshrl.u32 s7, $0x3;
	s9 =	smax.u32 s26, $0x1;
	s26 =	simm.s32 $0x2  }
0x12: {  	s6 =	sadd.s32 s1, s24;
	s0 =	sadd.s32 s7, s0;
	s24 =	simm.s32 $0x6  }
0x13: {  	s1 =	simm.s32 $0x8;
	s7 =	sadd.s32 $0x9C40, s6;
	s8 =	sadd.s32 $0x17000, s0  }
.LBB2_1:
0x14: {  	[tilespmem:s3], [sflag:$0xB] =	stream.linear.gather [hbm4b:s6+s3], $0x2710, $0x38;
	[tilespmem:$0x15020] =	vst v63  }
0x15: {  	_ =	swait.ge [sflag:s10], $0x2710  }
0x16: {  	[sflag:s10] =	ssyncset.done $0x0  }
0x17: {  	[sflag:s10] =	ssyncadd.s32 $0xFFFFD8F0  }
0x18: {  	[tilespmem:s11], [sflag:$0xB] =	stream.linear.gather [hbm4b:s7+s3], $0x2710, $0x38;
	[tilespmem:$0x15020] =	vst v63  }
0x19: {  	_ =	swait.ge [sflag:s10], $0x2710  }
0x1a: {  	[sflag:s10] =	ssyncset.done $0x0  }
0x1b: {  	s0 =	rddreg [dreg:$0x4];
	[sflag:s10] =	ssyncadd.s32 $0xFFFFD8F0  }
0x1c: {  	[spmem:s13], [sflag:s12] =	dma.local [hbm:s0], $0x13C0  }
0x1d: {  	_ =	swait.ge [sflag:s10], $0x13C0  }
0x1e: {  	[sflag:s10] =	ssyncset.done $0x0  }
0x1f: {  	[sflag:s10] =	ssyncadd.s32 $0xFFFFEC40  }
0x20: {  	[bflag:$0x0] =	sbarrier.arrive $0xFFFF  }
0x21: {  	[tilespmem:s15], [sflag:$0x1] =	stream.indirect.gather [hbm4b:s4+s14], $0x40, s3, s14, $0xb8;
	[tilespmem:$0x15020] =	vst v63  }
0x22: {  	_ = 	snop  }
0x23: {  	[tilespmem:s16], [sflag:$0x2] =	stream.indirect.gather [hbm4b:s4+s14], $0x40, s14, s14, $0xb8;
	[tilespmem:$0x15020] =	vst v63  }
0x24: {  	s5 =	simm.s32 $0xA0  }
0x25: {  	[tilespmem:s18], [sflag:$0x3] =	stream.indirect.gather [hbm4b:s4+s14], $0x40, s5, s14, $0xb8;
	[tilespmem:$0x15020] =	vst v63  }
0x26: {  	s5 =	simm.s32 $0xF0  }
0x27: {  	[tilespmem:s20], [sflag:$0x4] =	stream.indirect.gather [hbm4b:s4+s14], $0x40, s5, s14, $0xb8;
	[tilespmem:$0x15020] =	vst v63  }
0x28: {  	s5 =	simm.s32 $0x140  }
0x29: {  	[tilespmem:s22], [sflag:$0x5] =	stream.indirect.gather [hbm4b:s4+s14], $0x40, s5, s14, $0xb8;
	[tilespmem:$0x15020] =	vst v63  }
0x2a: {  	_ =	swait.ge [sflag:s23], $0x1400  }
0x2b: {  	[sflag:s23] =	ssyncset.done $0x0  }
0x2c: {  	[sflag:s23] =	ssyncadd.s32 $0xFFFFEC00  }
0x2d: {  	[spmem:s2] =	stream.indirect.scatter.add.f32 [tilespmem:s15], [sflag:$0x6], $0x40, s11, s14, $0xb8;
	[tilespmem:$0x15020] =	vst v63  }
0x2e: {  	_ =	swait.ge [sflag:s24], $0x1400  }
0x2f: {  	[sflag:s24] =	ssyncset.done $0x0  }
0x30: {  	s5 =	simm.s32 $0x190;
	[sflag:s24] =	ssyncadd.s32 $0xFFFFEC00  }
0x31: {  	[tilespmem:s15], [sflag:$0x1] =	stream.indirect.gather [hbm4b:s4+s14], $0x40, s5, s14, $0xb8;
	[tilespmem:$0x15020] =	vst v63  }
0x32: {  	_ =	swait.ge [sflag:s26], $0x1400  }
0x33: {  	[sflag:s26] =	ssyncset.done $0x0  }
0x34: {  	s5 =	simm.s32 $0x2760;
	[sflag:s26] =	ssyncadd.s32 $0xFFFFEC00  }
0x35: {  	[spmem:s2] =	stream.indirect.scatter.add.f32 [tilespmem:s16], [sflag:$0x7], $0x40, s5, s14, $0xb8;
	[tilespmem:$0x15020] =	vst v63  }
0x36: {  	_ =	swait.ge [sflag:s29], $0x1400  }
0x37: {  	[sflag:s29] =	ssyncset.done $0x0  }
0x38: {  	s5 =	simm.s32 $0x1E0;
	[sflag:s29] =	ssyncadd.s32 $0xFFFFEC00  }
0x39: {  	[tilespmem:s16], [sflag:$0x2] =	stream.indirect.gather [hbm4b:s4+s14], $0x40, s5, s14, $0xb8;
	[tilespmem:$0x15020] =	vst v63  }
0x3a: {  	_ =	swait.ge [sflag:s31], $0x1400  }
0x3b: {  	[sflag:s31] =	ssyncset.done $0x0  }
0x3c: {  	s5 =	simm.s32 $0x27B0;
	[sflag:s31] =	ssyncadd.s32 $0xFFFFEC00  }
0x3d: {  	[spmem:s2] =	stream.indirect.scatter.add.f32 [tilespmem:s18], [sflag:$0x8], $0x40, s5, s14, $0xb8;
	[tilespmem:$0x15020] =	vst v63  }
0x3e: {  	_ =	swait.ge [sflag:s1], $0x1400  }
0x3f: {  	[sflag:s1] =	ssyncset.done $0x0  }
0x40: {  	s5 =	simm.s32 $0x230;
	[sflag:s1] =	ssyncadd.s32 $0xFFFFEC00  }
0x41: {  	[tilespmem:s18], [sflag:$0x3] =	stream.indirect.gather [hbm4b:s4+s14], $0x40, s5, s14, $0xb8;
	[tilespmem:$0x15020] =	vst v63  }
0x42: {  	_ =	swait.ge [sflag:s19], $0x1400  }
0x43: {  	[sflag:s19] =	ssyncset.done $0x0  }
0x44: {  	s5 =	simm.s32 $0x2800;
	[sflag:s19] =	ssyncadd.s32 $0xFFFFEC00  }
0x45: {  	[spmem:s2] =	stream.indirect.scatter.add.f32 [tilespmem:s20], [sflag:$0x9], $0x40, s5, s14, $0xb8;
	[tilespmem:$0x15020] =	vst v63  }
0x46: {  	_ =	swait.ge [sflag:s25], $0x1400  }
0x47: {  	[sflag:s25] =	ssyncset.done $0x0  }
0x48: {  	s5 =	simm.s32 $0x280;
	[sflag:s25] =	ssyncadd.s32 $0xFFFFEC00  }
0x49: {  	[tilespmem:s20], [sflag:$0x4] =	stream.indirect.gather [hbm4b:s4+s14], $0x40, s5, s14, $0xb8;
	[tilespmem:$0x15020] =	vst v63  }
0x4a: {  	_ =	swait.ge [sflag:s30], $0x1400  }
0x4b: {  	[sflag:s30] =	ssyncset.done $0x0  }
0x4c: {  	s5 =	simm.s32 $0x2850;
	[sflag:s30] =	ssyncadd.s32 $0xFFFFEC00  }
0x4d: {  	[spmem:s2] =	stream.indirect.scatter.add.f32 [tilespmem:s22], [sflag:$0xA], $0x40, s5, s14, $0xb8;
	[tilespmem:$0x15020] =	vst v63  }
0x4e: {  	_ =	swait.ge [sflag:s17], $0x1400  }
0x4f: {  	[sflag:s17] =	ssyncset.done $0x0  }
0x50: {  	s5 =	simm.s32 $0x2D0;
	[sflag:s17] =	ssyncadd.s32 $0xFFFFEC00  }
0x51: {  	[tilespmem:s22], [sflag:$0x5] =	stream.indirect.gather [hbm4b:s4+s14], $0x40, s5, s14, $0xb8;
	[tilespmem:$0x15020] =	vst v63  }
0x52: {  	_ =	swait.ge [sflag:s23], $0x1400  }
0x53: {  	[sflag:s23] =	ssyncset.done $0x0  }
0x54: {  	s5 =	simm.s32 $0x28A0;
	[sflag:s23] =	ssyncadd.s32 $0xFFFFEC00  }
0x55: {  	[spmem:s2] =	stream.indirect.scatter.add.f32 [tilespmem:s15], [sflag:$0x6], $0x40, s5, s14, $0xb8;
	[tilespmem:$0x15020] =	vst v63  }
0x56: {  	_ =	swait.ge [sflag:s24], $0x1400  }
0x57: {  	[sflag:s24] =	ssyncset.done $0x0  }
0x58: {  	s5 =	simm.s32 $0x320;
	[sflag:s24] =	ssyncadd.s32 $0xFFFFEC00  }
0x59: {  	[tilespmem:s15], [sflag:$0x1] =	stream.indirect.gather [hbm4b:s4+s14], $0x40, s5, s14, $0xb8;
	[tilespmem:$0x15020] =	vst v63  }
0x5a: {  	_ =	swait.ge [sflag:s26], $0x1400  }
0x5b: {  	[sflag:s26] =	ssyncset.done $0x0  }
0x5c: {  	s5 =	simm.s32 $0x28F0;
	[sflag:s26] =	ssyncadd.s32 $0xFFFFEC00  }
0x5d: {  	[spmem:s2] =	stream.indirect.scatter.add.f32 [tilespmem:s16], [sflag:$0x7], $0x40, s5, s14, $0xb8;
	[tilespmem:$0x15020] =	vst v63  }
0x5e: {  	_ =	swait.ge [sflag:s29], $0x1400  }
0x5f: {  	[sflag:s29] =	ssyncset.done $0x0  }
0x60: {  	s5 =	simm.s32 $0x370;
	[sflag:s29] =	ssyncadd.s32 $0xFFFFEC00  }
0x61: {  	[tilespmem:s16], [sflag:$0x2] =	stream.indirect.gather [hbm4b:s4+s14], $0x40, s5, s14, $0xb8;
	[tilespmem:$0x15020] =	vst v63  }
0x62: {  	_ =	swait.ge [sflag:s31], $0x1400  }
0x63: {  	[sflag:s31] =	ssyncset.done $0x0  }
0x64: {  	s5 =	simm.s32 $0x2940;
	[sflag:s31] =	ssyncadd.s32 $0xFFFFEC00  }
0x65: {  	[spmem:s2] =	stream.indirect.scatter.add.f32 [tilespmem:s18], [sflag:$0x8], $0x40, s5, s14, $0xb8;
	[tilespmem:$0x15020] =	vst v63  }
0x66: {  	_ =	swait.ge [sflag:s1], $0x1400  }
0x67: {  	[sflag:s1] =	ssyncset.done $0x0  }
0x68: {  	s5 =	simm.s32 $0x3C0;
	[sflag:s1] =	ssyncadd.s32 $0xFFFFEC00  }
0x69: {  	[tilespmem:s18], [sflag:$0x3] =	stream.indirect.gather [hbm4b:s4+s14], $0x40, s5, s14, $0xb8;
	[tilespmem:$0x15020] =	vst v63  }
0x6a: {  	_ =	swait.ge [sflag:s19], $0x1400  }
0x6b: {  	[sflag:s19] =	ssyncset.done $0x0  }
0x6c: {  	s5 =	simm.s32 $0x2990;
	[sflag:s19] =	ssyncadd.s32 $0xFFFFEC00  }
0x6d: {  	[spmem:s2] =	stream.indirect.scatter.add.f32 [tilespmem:s20], [sflag:$0x9], $0x40, s5, s14, $0xb8;
	[tilespmem:$0x15020] =	vst v63  }
0x6e: {  	_ =	swait.ge [sflag:s25], $0x1400  }
0x6f: {  	[sflag:s25] =	ssyncset.done $0x0  }
0x70: {  	s5 =	simm.s32 $0x410;
	[sflag:s25] =	ssyncadd.s32 $0xFFFFEC00  }
0x71: {  	[tilespmem:s20], [sflag:$0x4] =	stream.indirect.gather [hbm4b:s4+s14], $0x40, s5, s14, $0xb8;
	[tilespmem:$0x15020] =	vst v63  }
0x72: {  	_ =	swait.ge [sflag:s30], $0x1400  }
0x73: {  	[sflag:s30] =	ssyncset.done $0x0  }
0x74: {  	s28 =	simm.s32 $0x640;
	s0 =	simm.s32 $0x29E0;
	[sflag:s30] =	ssyncadd.s32 $0xFFFFEC00  }
.LBB2_2:
0x75: {  	[spmem:s2] =	stream.indirect.scatter.add.f32 [tilespmem:s22], [sflag:$0xA], $0x40, s0, s14, $0xb8;
	[tilespmem:$0x15020] =	vst v63  }
0x76: {  	s0 =	smov.u32 s28;
	s28 =	sadd.s32 $0x640, s28;
	_ =	swait.ge [sflag:s17], $0x1400  }
0x77: {  	s0 =	sshra.s32 s0, $0x2;
	p0 =	sne.s32 s28, $0x8FC0;
	[sflag:s17] =	ssyncset.done $0x0  }
0x78: {  	s5 =	sadd.s32 $0x2D0, s0;
	[sflag:s17] =	ssyncadd.s32 $0xFFFFEC00  }
0x79: {  	[tilespmem:s22], [sflag:$0x5] =	stream.indirect.gather [hbm4b:s4+s14], $0x40, s5, s14, $0xb8;
	[tilespmem:$0x15020] =	vst v63  }
0x7a: {  	_ =	swait.ge [sflag:s23], $0x1400  }
0x7b: {  	[sflag:s23] =	ssyncset.done $0x0  }
0x7c: {  	s5 =	sadd.s32 $0x28A0, s0;
	[sflag:s23] =	ssyncadd.s32 $0xFFFFEC00  }
0x7d: {  	[spmem:s2] =	stream.indirect.scatter.add.f32 [tilespmem:s15], [sflag:$0x6], $0x40, s5, s14, $0xb8;
	[tilespmem:$0x15020] =	vst v63  }
0x7e: {  	_ =	swait.ge [sflag:s24], $0x1400  }
0x7f: {  	[sflag:s24] =	ssyncset.done $0x0  }
0x80: {  	s5 =	sadd.s32 $0x320, s0;
	[sflag:s24] =	ssyncadd.s32 $0xFFFFEC00  }
0x81: {  	[tilespmem:s15], [sflag:$0x1] =	stream.indirect.gather [hbm4b:s4+s14], $0x40, s5, s14, $0xb8;
	[tilespmem:$0x15020] =	vst v63  }
0x82: {  	_ =	swait.ge [sflag:s26], $0x1400  }
0x83: {  	[sflag:s26] =	ssyncset.done $0x0  }
0x84: {  	s5 =	sadd.s32 $0x28F0, s0;
	[sflag:s26] =	ssyncadd.s32 $0xFFFFEC00  }
0x85: {  	[spmem:s2] =	stream.indirect.scatter.add.f32 [tilespmem:s16], [sflag:$0x7], $0x40, s5, s14, $0xb8;
	[tilespmem:$0x15020] =	vst v63  }
0x86: {  	_ =	swait.ge [sflag:s29], $0x1400  }
0x87: {  	[sflag:s29] =	ssyncset.done $0x0  }
0x88: {  	s5 =	sadd.s32 $0x370, s0;
	[sflag:s29] =	ssyncadd.s32 $0xFFFFEC00  }
0x89: {  	[tilespmem:s16], [sflag:$0x2] =	stream.indirect.gather [hbm4b:s4+s14], $0x40, s5, s14, $0xb8;
	[tilespmem:$0x15020] =	vst v63  }
0x8a: {  	_ =	swait.ge [sflag:s31], $0x1400  }
0x8b: {  	[sflag:s31] =	ssyncset.done $0x0  }
0x8c: {  	s5 =	sadd.s32 $0x2940, s0;
	[sflag:s31] =	ssyncadd.s32 $0xFFFFEC00  }
0x8d: {  	[spmem:s2] =	stream.indirect.scatter.add.f32 [tilespmem:s18], [sflag:$0x8], $0x40, s5, s14, $0xb8;
	[tilespmem:$0x15020] =	vst v63  }
0x8e: {  	_ =	swait.ge [sflag:s1], $0x1400  }
0x8f: {  	[sflag:s1] =	ssyncset.done $0x0  }
0x90: {  	s5 =	sadd.s32 $0x3C0, s0;
	[sflag:s1] =	ssyncadd.s32 $0xFFFFEC00  }
0x91: {  	[tilespmem:s18], [sflag:$0x3] =	stream.indirect.gather [hbm4b:s4+s14], $0x40, s5, s14, $0xb8;
	[tilespmem:$0x15020] =	vst v63  }
0x92: {  	_ =	swait.ge [sflag:s19], $0x1400  }
0x93: {  	[sflag:s19] =	ssyncset.done $0x0  }
0x94: {  	s5 =	sadd.s32 $0x2990, s0;
	[sflag:s19] =	ssyncadd.s32 $0xFFFFEC00  }
0x95: {  	[spmem:s2] =	stream.indirect.scatter.add.f32 [tilespmem:s20], [sflag:$0x9], $0x40, s5, s14, $0xb8;
	[tilespmem:$0x15020] =	vst v63  }
0x96: {  	_ =	swait.ge [sflag:s25], $0x1400  }
0x97: {  	[sflag:s25] =	ssyncset.done $0x0  }
.Ltmp0:
0x98: {  	s5 =	sadd.s32 $0x410, s0;
	[sflag:s25] =	ssyncadd.s32 $0xFFFFEC00;
	(pc) =	sbr.rel @p0 .LBB2_2-.Ltmp0, $4  }
0x99: {  	[tilespmem:s20], [sflag:$0x4] =	stream.indirect.gather [hbm4b:s4+s14], $0x40, s5, s14, $0xb8;
	[tilespmem:$0x15020] =	vst v63  }
0x9a: {  	_ =	swait.ge [sflag:s30], $0x1400  }
0x9b: {  	[sflag:s30] =	ssyncset.done $0x0  }
0x9c: {  	s0 =	sadd.s32 $0x29E0, s0;
	[sflag:s30] =	ssyncadd.s32 $0xFFFFEC00  }
0x9d: {  	[spmem:s2] =	stream.indirect.scatter.add.f32 [tilespmem:s22], [sflag:$0xA], $0x40, s0, s14, $0xb8;
	[tilespmem:$0x15020] =	vst v63  }
0x9e: {  	_ =	swait.ge [sflag:s17], $0x1400  }
0x9f: {  	s0 =	sshra.s32 s28, $0x2;
	[sflag:s17] =	ssyncset.done $0x0  }
0xa0: {  	s5 =	sadd.s32 $0x2D0, s0;
	[sflag:s17] =	ssyncadd.s32 $0xFFFFEC00  }
0xa1: {  	[tilespmem:s22], [sflag:$0x5] =	stream.indirect.gather [hbm4b:s4+s14], $0x40, s5, s14, $0xb8;
	[tilespmem:$0x15020] =	vst v63  }
0xa2: {  	_ =	swait.ge [sflag:s23], $0x1400  }
0xa3: {  	[sflag:s23] =	ssyncset.done $0x0  }
0xa4: {  	s28 =	sadd.s32 $0x28A0, s0;
	[sflag:s23] =	ssyncadd.s32 $0xFFFFEC00  }
0xa5: {  	[spmem:s2] =	stream.indirect.scatter.add.f32 [tilespmem:s15], [sflag:$0x6], $0x40, s28, s14, $0xb8;
	[tilespmem:$0x15020] =	vst v63  }
0xa6: {  	_ =	swait.ge [sflag:s26], $0x1400  }
0xa7: {  	[sflag:s26] =	ssyncset.done $0x0  }
0xa8: {  	s28 =	sadd.s32 $0x28F0, s0;
	[sflag:s26] =	ssyncadd.s32 $0xFFFFEC00  }
0xa9: {  	[spmem:s2] =	stream.indirect.scatter.add.f32 [tilespmem:s16], [sflag:$0x7], $0x40, s28, s14, $0xb8;
	[tilespmem:$0x15020] =	vst v63  }
0xaa: {  	_ =	swait.ge [sflag:s31], $0x1400  }
0xab: {  	[sflag:s31] =	ssyncset.done $0x0  }
0xac: {  	s28 =	sadd.s32 $0x2940, s0;
	[sflag:s31] =	ssyncadd.s32 $0xFFFFEC00  }
0xad: {  	[spmem:s2] =	stream.indirect.scatter.add.f32 [tilespmem:s18], [sflag:$0x8], $0x40, s28, s14, $0xb8;
	[tilespmem:$0x15020] =	vst v63  }
0xae: {  	_ =	swait.ge [sflag:s19], $0x1400  }
0xaf: {  	[sflag:s19] =	ssyncset.done $0x0  }
0xb0: {  	s28 =	sadd.s32 $0x2990, s0;
	[sflag:s19] =	ssyncadd.s32 $0xFFFFEC00  }
0xb1: {  	[spmem:s2] =	stream.indirect.scatter.add.f32 [tilespmem:s20], [sflag:$0x9], $0x40, s28, s14, $0xb8;
	[tilespmem:$0x15020] =	vst v63  }
0xb2: {  	_ =	swait.ge [sflag:s30], $0x1400  }
0xb3: {  	[sflag:s30] =	ssyncset.done $0x0  }
0xb4: {  	s0 =	sadd.s32 $0x29E0, s0;
	[sflag:s30] =	ssyncadd.s32 $0xFFFFEC00  }
0xb5: {  	[spmem:s2] =	stream.indirect.scatter.add.f32 [tilespmem:s22], [sflag:$0xA], $0x40, s0, s14, $0xb8;
	[tilespmem:$0x15020] =	vst v63  }
0xb6: {  	_ =	swait.ge [sflag:s24], $0x1400  }
0xb7: {  	[sflag:s24] =	ssyncset.done $0x0  }
0xb8: {  	[sflag:s24] =	ssyncadd.s32 $0xFFFFEC00  }
0xb9: {  	_ =	swait.ge [sflag:s29], $0x1400  }
0xba: {  	[sflag:s29] =	ssyncset.done $0x0  }
0xbb: {  	[sflag:s29] =	ssyncadd.s32 $0xFFFFEC00  }
0xbc: {  	_ =	swait.ge [sflag:s1], $0x1400  }
0xbd: {  	[sflag:s1] =	ssyncset.done $0x0  }
0xbe: {  	[sflag:s1] =	ssyncadd.s32 $0xFFFFEC00  }
0xbf: {  	_ =	swait.ge [sflag:s25], $0x1400  }
0xc0: {  	[sflag:s25] =	ssyncset.done $0x0  }
0xc1: {  	[sflag:s25] =	ssyncadd.s32 $0xFFFFEC00  }
0xc2: {  	_ =	swait.ge [sflag:s17], $0x1400  }
0xc3: {  	s21 =	sadd.s32 $0x1, s21;
	[sflag:s17] =	ssyncset.done $0x0  }
0xc4: {  	p0 =	sne.s32 s21, s9;
	[sflag:s17] =	ssyncadd.s32 $0xFFFFEC00  }
.Ltmp1:
0xc5: {  	[bflag:$0x0] =	sbarrier.arrive $0xFFFF;
	(pc) =	sbr.rel @p0 .LBB2_1-.Ltmp1, $4  }
0xc6: {  	[hbm:s8], [sflag:s12] =	dma.local [spmem:s13], $0x13C0  }
0xc7: {  	_ =	swait.ge [sflag:s10], $0x13C0  }
0xc8: {  	[sflag:s10] =	ssyncset.done $0x0  }
0xc9: {  	[sflag:s10] =	ssyncadd.s32 $0xFFFFEC40  }
0xca: {  	_ =	sfence.sel $0x180000  }
0xcb: {  	[bflag:$0x0] =	sbarrier.arrive $0xFFFF  }
0xcc: {  	_ =	strace $0x9000004A  }
0xcd: {  	s0 =	stileid.u32;
	[bflag:$0x2] =	sbarrier.arrive $0xFFFF  }
0xce: {  	p0 =	sne.s32 s0, $0x0;
	s0 =	rddreg [dreg:$0x3]  }
0xcf: {  	s0 =	sadd.s32 @!p0 $0x100000, s0  }
0xd0: {  	[sflag:s0] =	ssyncadd.tile.s32 @!p0 $0x1;
	_ =	shalt  }
.Lfunc_end2:
_tile_overlayer_lowered:
.L_overlay_start_2:
0xd1: {  	(tag) =	ssettag $0x2  }
0xd2: {  	s0 =	rddreg [dreg:$0x0];
	s2 =	stileid.u32  }
0xd3: {  	s1 =	rddreg [dreg:$0x1];
	p0 =	sne.s32 s2, $0x0  }
0xd4: {  	s3 =	rddreg [dreg:$0x2];
	[bflag:$0x3] =	sbarrier.arrive $0xFFFF;
	s2 =	simm.s32 @!p0 $0x1C0B  }
0xd5: {  	[timem:s3], [sflag:s2] =	dma.local @!p0 [hbm:s0], s1  }
0xd6: {  	s0 =	simm.s32 @!p0 $0xB  }
0xd7: {  	_ =	swait.ge @!p0 [sflag:s0], s1  }
0xd8: {  	s1 =	ssub.s32 @!p0 $0x0, s1;
	[sflag:s0] =	ssyncset.done @!p0 $0x0  }
0xd9: {  	[sflag:s0] =	ssyncadd.s32 @!p0 s1  }
0xda: {  	[bflag:$0x3] =	sbarrier.arrive $0xFFFF  }
0xdb: {  	_ =	shalt  }

</sc_bundles>
